<compile_context>
chip_gen: v7x
topology: tpu7x:2x2x1
jax: 0.10.2.dev20260603
libtpu: 0.0.44.dev20260713+nightly
codegen_flags: <defaults>
</compile_context>

<pallas_src>
import functools

import jax
import jax.numpy as jnp
from jax import lax
from jax.experimental import pallas as pl
from jax.experimental.pallas import tpu as pltpu
from jax.experimental.pallas import tpu_sc as plsc

VOCAB = 1000000
EMB = 32
OUT = 5
B = 4096
L = 200

NC = 2
NS = 16
NW = NC * NS
BAGS_PER_W = B // NW
CHUNK_BAGS = 4
TOK_PER_CHUNK = CHUNK_BAGS * L
STREAM_W = 100
STREAMS_PER_CHUNK = TOK_PER_CHUNK // STREAM_W
CHUNKS = BAGS_PER_W // CHUNK_BAGS
ROWS_PER_W = (BAGS_PER_W * L) // STREAM_W


def _sc_pool(embed, data2d):
    mesh = plsc.VectorSubcoreMesh(core_axis_name="c", subcore_axis_name="s")

    @functools.partial(
        pl.kernel,
        mesh=mesh,
        out_type=jax.ShapeDtypeStruct((B, EMB), jnp.float32),
        compiler_params=pltpu.CompilerParams(use_tc_tiling_on_sc=False),
        scratch_types=[
            pltpu.VMEM((ROWS_PER_W, STREAM_W), jnp.int32),
            pltpu.VMEM((TOK_PER_CHUNK, EMB), jnp.float32),
            pltpu.VMEM((TOK_PER_CHUNK, EMB), jnp.float32),
            pltpu.VMEM((CHUNK_BAGS, EMB), jnp.float32),
            pltpu.SemaphoreType.DMA,
            pltpu.SemaphoreType.DMA,
            pltpu.SemaphoreType.DMA,
        ],
    )
    def pool(table_hbm, data_hbm, out_hbm, idx_v, rows_a, rows_b, stage_v,
             isem, sem_a, sem_b):
        wid = lax.axis_index("s") * NC + lax.axis_index("c")
        row0 = wid * ROWS_PER_W

        pltpu.async_copy(data_hbm.at[pl.ds(row0, ROWS_PER_W)], idx_v, isem).wait()

        def fire(c, rows_v, sem):
            for j in range(STREAMS_PER_CHUNK):
                pltpu.async_copy(
                    table_hbm.at[idx_v.at[c * STREAMS_PER_CHUNK + j]],
                    rows_v.at[pl.ds(j * STREAM_W, STREAM_W)],
                    sem,
                )

        def drain(rows_v, sem):
            pltpu.make_async_copy(
                table_hbm.at[pl.ds(0, TOK_PER_CHUNK)], rows_v, sem
            ).wait()

        def acc_out(c, rows_v):
            def bag_body(i, carry2):
                zero = jnp.zeros((16,), jnp.float32)

                def row_body(r, accs):
                    a0, a1 = accs
                    base = i * L + r * 8
                    for u in range(8):
                        a0 = a0 + rows_v[base + u, 0:16]
                        a1 = a1 + rows_v[base + u, 16:32]
                    return (a0, a1)

                a0, a1 = lax.fori_loop(0, L // 8, row_body, (zero, zero))
                stage_v[i, 0:16] = a0
                stage_v[i, 16:32] = a1
                return carry2

            lax.fori_loop(0, CHUNK_BAGS, bag_body, 0)
            pltpu.sync_copy(
                stage_v,
                out_hbm.at[pl.ds(wid * BAGS_PER_W + c * CHUNK_BAGS, CHUNK_BAGS)],
            )

        fire(0, rows_a, sem_a)

        def pair_body(k, carry):
            c0 = k * 2
            fire(c0 + 1, rows_b, sem_b)
            drain(rows_a, sem_a)
            acc_out(c0, rows_a)

            @pl.when(k < CHUNKS // 2 - 1)
            def _():
                fire(c0 + 2, rows_a, sem_a)

            drain(rows_b, sem_b)
            acc_out(c0 + 1, rows_b)
            return carry

        lax.fori_loop(0, CHUNKS // 2, pair_body, 0)

    return pool(embed, data2d)


def _tc_head(pooled, inv_len, wt, b2):
    BLK = 512

    def body(p_ref, il_ref, w_ref, b_ref, o_ref):
        x = p_ref[:] * il_ref[:]
        y = jnp.dot(x, w_ref[:], preferred_element_type=jnp.float32)
        o_ref[:] = y + b_ref[:]

    return pl.pallas_call(
        body,
        grid=(B // BLK,),
        in_specs=[
            pl.BlockSpec((BLK, EMB), lambda i: (i, 0)),
            pl.BlockSpec((BLK, 1), lambda i: (i, 0)),
            pl.BlockSpec((EMB, OUT), lambda i: (0, 0)),
            pl.BlockSpec((1, OUT), lambda i: (0, 0)),
        ],
        out_specs=pl.BlockSpec((BLK, OUT), lambda i: (i, 0)),
        out_shape=jax.ShapeDtypeStruct((B, OUT), jnp.float32),
    )(pooled, inv_len, wt, b2)


def kernel(data, length, embed, W, b):
    data2d = data.reshape(B * L // STREAM_W, STREAM_W)
    pooled = _sc_pool(embed, data2d)
    inv_len = (1.0 / length.astype(jnp.float32)).reshape(B, 1)
    return _tc_head(pooled, inv_len, W.T, b.reshape(1, OUT))

# --- scband reference (transcript-rebuilt; emitter-appended) ---
"""Pipeline reference for scband-bag-of-words-52802327937671 (READ-ONLY COPY).

The authoritative reference and input builder live on the scoring server;
editing this copy changes nothing except your own understanding.
"""

import jax, jax.numpy as jnp
import numpy as np

VOCAB = 1000000
EMB = 32
OUT = 5
B = 4096
L = 200

def setup_inputs(seed: int = 0) -> dict:
    key = jax.random.key(seed)
    k1, k2, k3, k4, k5 = jax.random.split(key, 5)
    data = jax.random.randint(k1, (B, L), 0, VOCAB, dtype=jnp.int64 if jax.config.jax_enable_x64 else jnp.int32)
    # length must be >= 1 to avoid division by zero (represents non-padding token counts)
    length = jax.random.randint(k2, (B,), 1, L, dtype=jnp.int64 if jax.config.jax_enable_x64 else jnp.int32)
    embed = jax.random.normal(k3, (VOCAB, EMB), dtype=jnp.float32)
    embed = embed.at[0].set(0.0)  # padding_idx=0
    W = jax.random.normal(k4, (OUT, EMB), dtype=jnp.float32) * (1.0 / np.sqrt(EMB))
    b = jax.random.normal(k5, (OUT,), dtype=jnp.float32) * 0.01
    return {"data": data, "length": length, "embed": embed, "W": W, "b": b}

def reference(data, length, embed, W, b):
    # nn.Embedding with padding_idx=0: row 0 is zero
    t = embed.at[0].set(0.0)
    out = jnp.take(t, data, axis=0)           # [B, L, EMB] gather
    out = jnp.sum(out, axis=1)                 # [B, EMB] bag-of-words sum
    out = out / length[:, None].astype(jnp.float32)
    out = out @ W.T + b                        # [B, OUT]
    return out

if __name__ == "__main__":
    import jax
    _d = setup_inputs()
    print(jax.jit(kernel)(*tuple(_d.values())))

</pallas_src>

<mosaic_0001>
#map = affine_map<(d0, d1) -> (0, 0)>
module attributes {stable_mosaic.version = 14 : i64} {
  func.func @pool(%arg0: i32, %arg1: i32, %arg2: memref<1000000x32xf32, #tpu.memory_space<hbm>>, %arg3: memref<8192x100xi32, #tpu.memory_space<hbm>>, %arg4: memref<4096x32xf32, #tpu.memory_space<hbm>>, %arg5: memref<256x100xi32, #tpu.memory_space<vmem>>, %arg6: memref<800x32xf32, #tpu.memory_space<vmem>>, %arg7: memref<800x32xf32, #tpu.memory_space<vmem>>, %arg8: memref<4x32xf32, #tpu.memory_space<vmem>>, %arg9: memref<!tpu.dma_semaphore, #tpu.memory_space<semaphore_mem>>, %arg10: memref<!tpu.dma_semaphore, #tpu.memory_space<semaphore_mem>>, %arg11: memref<!tpu.dma_semaphore, #tpu.memory_space<semaphore_mem>>) attributes {dimension_semantics = [#tpu.dimension_semantics<core_parallel>, #tpu.dimension_semantics<subcore_parallel>], iteration_bounds = array<i64: 2, 16>, scalar_prefetch = 0 : i64, scratch_operands = 7 : i64, tpu.core_type = #tpu.core_type<sc_vector_subcore>, window_params = [{transform_indices = #map}, {transform_indices = #map}, {transform_indices = #map}]} {
    %mul3A = arith.constant 2 : i32
    %mul3A_0 = arith.muli %arg1, %mul3A : i32
    %add3A = arith.addi %mul3A_0, %arg0 : i32
    %mul3A_1 = arith.constant 256 : i32
    %mul3A_2 = arith.muli %add3A, %mul3A_1 : i32
    %dma_start3A = arith.constant 0 : i32
    %dma_start3A_3 = tpu.memref_slice %arg3[%mul3A_2, %dma_start3A] : memref<8192x100xi32, #tpu.memory_space<hbm>> -> memref<256x100xi32, #tpu.memory_space<hbm>>
    %dma_start3A_4 = arith.constant 0 : i32
    %dma_start3A_5 = tpu.memref_slice %arg3[%mul3A_2, %dma_start3A_4] : memref<8192x100xi32, #tpu.memory_space<hbm>> -> memref<256x100xi32, #tpu.memory_space<hbm>>
    tpu.enqueue_dma source(%dma_start3A_5 : memref<256x100xi32, #tpu.memory_space<hbm>>) target(%arg5 : memref<256x100xi32, #tpu.memory_space<vmem>>) target_semaphore(%arg9 : memref<!tpu.dma_semaphore, #tpu.memory_space<semaphore_mem>>)
    %dma_wait3A = arith.constant 0 : i32
    %dma_wait3A_6 = tpu.memref_slice %arg3[%mul3A_2, %dma_wait3A] : memref<8192x100xi32, #tpu.memory_space<hbm>> -> memref<256x100xi32, #tpu.memory_space<hbm>>
    %dma_wait3A_7 = arith.constant 0 : i32
    %dma_wait3A_8 = tpu.memref_slice %arg3[%mul3A_2, %dma_wait3A_7] : memref<8192x100xi32, #tpu.memory_space<hbm>> -> memref<256x100xi32, #tpu.memory_space<hbm>>
    tpu.wait_dma2 semaphore(%arg9 : memref<!tpu.dma_semaphore, #tpu.memory_space<semaphore_mem>>) src(%dma_wait3A_8 : memref<256x100xi32, #tpu.memory_space<hbm>>) dst(%arg5 : memref<256x100xi32, #tpu.memory_space<vmem>>)
    %dma_start3A_9 = arith.constant 0 : i32
    %dma_start3A_10 = arith.constant 0 : i32
    %dma_start3A_11 = arith.constant 0 : i32
    %dma_start3A_12 = tpu.memref_slice %arg6[%dma_start3A_10, %dma_start3A_11] : memref<800x32xf32, #tpu.memory_space<vmem>> -> memref<100x32xf32, #tpu.memory_space<vmem>>
    %dma_start3A_13 = arith.constant 0 : i32
    %dma_start3A_14 = tpu.memref_slice %arg5[%dma_start3A_9, %dma_start3A_13] : memref<256x100xi32, #tpu.memory_space<vmem>> -> memref<1x100xi32, #tpu.memory_space<vmem>>
    %dma_start3A_15 = tpu.memref_squeeze %dma_start3A_14 : memref<1x100xi32, #tpu.memory_space<vmem>> -> memref<100xi32, #tpu.memory_space<vmem>>
    %dma_start3A_16 = arith.constant 0 : i32
    %dma_start3A_17 = arith.constant 0 : i32
    %dma_start3A_18 = tpu.memref_slice %arg2[%dma_start3A_16, %dma_start3A_17] : memref<1000000x32xf32, #tpu.memory_space<hbm>> -> memref<1000000x32xf32, #tpu.memory_space<hbm>>
    tpu.enqueue_indirect_dma source(%dma_start3A_18 : memref<1000000x32xf32, #tpu.memory_space<hbm>>) target(%dma_start3A_12 : memref<100x32xf32, #tpu.memory_space<vmem>>) offsets(%dma_start3A_15 : memref<100xi32, #tpu.memory_space<vmem>>) semaphore(%arg10 : memref<!tpu.dma_semaphore, #tpu.memory_space<semaphore_mem>>)
    %dma_start3A_19 = arith.constant 1 : i32
    %dma_start3A_20 = arith.constant 100 : i32
    %dma_start3A_21 = arith.constant 0 : i32
    %dma_start3A_22 = tpu.memref_slice %arg6[%dma_start3A_20, %dma_start3A_21] : memref<800x32xf32, #tpu.memory_space<vmem>> -> memref<100x32xf32, #tpu.memory_space<vmem>>
    %dma_start3A_23 = arith.constant 0 : i32
    %dma_start3A_24 = tpu.memref_slice %arg5[%dma_start3A_19, %dma_start3A_23] : memref<256x100xi32, #tpu.memory_space<vmem>> -> memref<1x100xi32, #tpu.memory_space<vmem>>
    %dma_start3A_25 = tpu.memref_squeeze %dma_start3A_24 : memref<1x100xi32, #tpu.memory_space<vmem>> -> memref<100xi32, #tpu.memory_space<vmem>>
    %dma_start3A_26 = arith.constant 0 : i32
    %dma_start3A_27 = arith.constant 0 : i32
    %dma_start3A_28 = tpu.memref_slice %arg2[%dma_start3A_26, %dma_start3A_27] : memref<1000000x32xf32, #tpu.memory_space<hbm>> -> memref<1000000x32xf32, #tpu.memory_space<hbm>>
    tpu.enqueue_indirect_dma source(%dma_start3A_28 : memref<1000000x32xf32, #tpu.memory_space<hbm>>) target(%dma_start3A_22 : memref<100x32xf32, #tpu.memory_space<vmem>>) offsets(%dma_start3A_25 : memref<100xi32, #tpu.memory_space<vmem>>) semaphore(%arg10 : memref<!tpu.dma_semaphore, #tpu.memory_space<semaphore_mem>>)
    %dma_start3A_29 = arith.constant 2 : i32
    %dma_start3A_30 = arith.constant 200 : i32
    %dma_start3A_31 = arith.constant 0 : i32
    %dma_start3A_32 = tpu.memref_slice %arg6[%dma_start3A_30, %dma_start3A_31] : memref<800x32xf32, #tpu.memory_space<vmem>> -> memref<100x32xf32, #tpu.memory_space<vmem>>
    %dma_start3A_33 = arith.constant 0 : i32
    %dma_start3A_34 = tpu.memref_slice %arg5[%dma_start3A_29, %dma_start3A_33] : memref<256x100xi32, #tpu.memory_space<vmem>> -> memref<1x100xi32, #tpu.memory_space<vmem>>
    %dma_start3A_35 = tpu.memref_squeeze %dma_start3A_34 : memref<1x100xi32, #tpu.memory_space<vmem>> -> memref<100xi32, #tpu.memory_space<vmem>>
    %dma_start3A_36 = arith.constant 0 : i32
    %dma_start3A_37 = arith.constant 0 : i32
    %dma_start3A_38 = tpu.memref_slice %arg2[%dma_start3A_36, %dma_start3A_37] : memref<1000000x32xf32, #tpu.memory_space<hbm>> -> memref<1000000x32xf32, #tpu.memory_space<hbm>>
    tpu.enqueue_indirect_dma source(%dma_start3A_38 : memref<1000000x32xf32, #tpu.memory_space<hbm>>) target(%dma_start3A_32 : memref<100x32xf32, #tpu.memory_space<vmem>>) offsets(%dma_start3A_35 : memref<100xi32, #tpu.memory_space<vmem>>) semaphore(%arg10 : memref<!tpu.dma_semaphore, #tpu.memory_space<semaphore_mem>>)
    %dma_start3A_39 = arith.constant 3 : i32
    %dma_start3A_40 = arith.constant 300 : i32
    %dma_start3A_41 = arith.constant 0 : i32
    %dma_start3A_42 = tpu.memref_slice %arg6[%dma_start3A_40, %dma_start3A_41] : memref<800x32xf32, #tpu.memory_space<vmem>> -> memref<100x32xf32, #tpu.memory_space<vmem>>
    %dma_start3A_43 = arith.constant 0 : i32
    %dma_start3A_44 = tpu.memref_slice %arg5[%dma_start3A_39, %dma_start3A_43] : memref<256x100xi32, #tpu.memory_space<vmem>> -> memref<1x100xi32, #tpu.memory_space<vmem>>
    %dma_start3A_45 = tpu.memref_squeeze %dma_start3A_44 : memref<1x100xi32, #tpu.memory_space<vmem>> -> memref<100xi32, #tpu.memory_space<vmem>>
    %dma_start3A_46 = arith.constant 0 : i32
    %dma_start3A_47 = arith.constant 0 : i32
    %dma_start3A_48 = tpu.memref_slice %arg2[%dma_start3A_46, %dma_start3A_47] : memref<1000000x32xf32, #tpu.memory_space<hbm>> -> memref<1000000x32xf32, #tpu.memory_space<hbm>>
    tpu.enqueue_indirect_dma source(%dma_start3A_48 : memref<1000000x32xf32, #tpu.memory_space<hbm>>) target(%dma_start3A_42 : memref<100x32xf32, #tpu.memory_space<vmem>>) offsets(%dma_start3A_45 : memref<100xi32, #tpu.memory_space<vmem>>) semaphore(%arg10 : memref<!tpu.dma_semaphore, #tpu.memory_space<semaphore_mem>>)
    %dma_start3A_49 = arith.constant 4 : i32
    %dma_start3A_50 = arith.constant 400 : i32
    %dma_start3A_51 = arith.constant 0 : i32
    %dma_start3A_52 = tpu.memref_slice %arg6[%dma_start3A_50, %dma_start3A_51] : memref<800x32xf32, #tpu.memory_space<vmem>> -> memref<100x32xf32, #tpu.memory_space<vmem>>
    %dma_start3A_53 = arith.constant 0 : i32
    %dma_start3A_54 = tpu.memref_slice %arg5[%dma_start3A_49, %dma_start3A_53] : memref<256x100xi32, #tpu.memory_space<vmem>> -> memref<1x100xi32, #tpu.memory_space<vmem>>
    %dma_start3A_55 = tpu.memref_squeeze %dma_start3A_54 : memref<1x100xi32, #tpu.memory_space<vmem>> -> memref<100xi32, #tpu.memory_space<vmem>>
    %dma_start3A_56 = arith.constant 0 : i32
    %dma_start3A_57 = arith.constant 0 : i32
    %dma_start3A_58 = tpu.memref_slice %arg2[%dma_start3A_56, %dma_start3A_57] : memref<1000000x32xf32, #tpu.memory_space<hbm>> -> memref<1000000x32xf32, #tpu.memory_space<hbm>>
    tpu.enqueue_indirect_dma source(%dma_start3A_58 : memref<1000000x32xf32, #tpu.memory_space<hbm>>) target(%dma_start3A_52 : memref<100x32xf32, #tpu.memory_space<vmem>>) offsets(%dma_start3A_55 : memref<100xi32, #tpu.memory_space<vmem>>) semaphore(%arg10 : memref<!tpu.dma_semaphore, #tpu.memory_space<semaphore_mem>>)
    %dma_start3A_59 = arith.constant 5 : i32
    %dma_start3A_60 = arith.constant 500 : i32
    %dma_start3A_61 = arith.constant 0 : i32
    %dma_start3A_62 = tpu.memref_slice %arg6[%dma_start3A_60, %dma_start3A_61] : memref<800x32xf32, #tpu.memory_space<vmem>> -> memref<100x32xf32, #tpu.memory_space<vmem>>
    %dma_start3A_63 = arith.constant 0 : i32
    %dma_start3A_64 = tpu.memref_slice %arg5[%dma_start3A_59, %dma_start3A_63] : memref<256x100xi32, #tpu.memory_space<vmem>> -> memref<1x100xi32, #tpu.memory_space<vmem>>
    %dma_start3A_65 = tpu.memref_squeeze %dma_start3A_64 : memref<1x100xi32, #tpu.memory_space<vmem>> -> memref<100xi32, #tpu.memory_space<vmem>>
    %dma_start3A_66 = arith.constant 0 : i32
    %dma_start3A_67 = arith.constant 0 : i32
    %dma_start3A_68 = tpu.memref_slice %arg2[%dma_start3A_66, %dma_start3A_67] : memref<1000000x32xf32, #tpu.memory_space<hbm>> -> memref<1000000x32xf32, #tpu.memory_space<hbm>>
    tpu.enqueue_indirect_dma source(%dma_start3A_68 : memref<1000000x32xf32, #tpu.memory_space<hbm>>) target(%dma_start3A_62 : memref<100x32xf32, #tpu.memory_space<vmem>>) offsets(%dma_start3A_65 : memref<100xi32, #tpu.memory_space<vmem>>) semaphore(%arg10 : memref<!tpu.dma_semaphore, #tpu.memory_space<semaphore_mem>>)
    %dma_start3A_69 = arith.constant 6 : i32
    %dma_start3A_70 = arith.constant 600 : i32
    %dma_start3A_71 = arith.constant 0 : i32
    %dma_start3A_72 = tpu.memref_slice %arg6[%dma_start3A_70, %dma_start3A_71] : memref<800x32xf32, #tpu.memory_space<vmem>> -> memref<100x32xf32, #tpu.memory_space<vmem>>
    %dma_start3A_73 = arith.constant 0 : i32
    %dma_start3A_74 = tpu.memref_slice %arg5[%dma_start3A_69, %dma_start3A_73] : memref<256x100xi32, #tpu.memory_space<vmem>> -> memref<1x100xi32, #tpu.memory_space<vmem>>
    %dma_start3A_75 = tpu.memref_squeeze %dma_start3A_74 : memref<1x100xi32, #tpu.memory_space<vmem>> -> memref<100xi32, #tpu.memory_space<vmem>>
    %dma_start3A_76 = arith.constant 0 : i32
    %dma_start3A_77 = arith.constant 0 : i32
    %dma_start3A_78 = tpu.memref_slice %arg2[%dma_start3A_76, %dma_start3A_77] : memref<1000000x32xf32, #tpu.memory_space<hbm>> -> memref<1000000x32xf32, #tpu.memory_space<hbm>>
    tpu.enqueue_indirect_dma source(%dma_start3A_78 : memref<1000000x32xf32, #tpu.memory_space<hbm>>) target(%dma_start3A_72 : memref<100x32xf32, #tpu.memory_space<vmem>>) offsets(%dma_start3A_75 : memref<100xi32, #tpu.memory_space<vmem>>) semaphore(%arg10 : memref<!tpu.dma_semaphore, #tpu.memory_space<semaphore_mem>>)
    %dma_start3A_79 = arith.constant 7 : i32
    %dma_start3A_80 = arith.constant 700 : i32
    %dma_start3A_81 = arith.constant 0 : i32
    %dma_start3A_82 = tpu.memref_slice %arg6[%dma_start3A_80, %dma_start3A_81] : memref<800x32xf32, #tpu.memory_space<vmem>> -> memref<100x32xf32, #tpu.memory_space<vmem>>
    %dma_start3A_83 = arith.constant 0 : i32
    %dma_start3A_84 = tpu.memref_slice %arg5[%dma_start3A_79, %dma_start3A_83] : memref<256x100xi32, #tpu.memory_space<vmem>> -> memref<1x100xi32, #tpu.memory_space<vmem>>
    %dma_start3A_85 = tpu.memref_squeeze %dma_start3A_84 : memref<1x100xi32, #tpu.memory_space<vmem>> -> memref<100xi32, #tpu.memory_space<vmem>>
    %dma_start3A_86 = arith.constant 0 : i32
    %dma_start3A_87 = arith.constant 0 : i32
    %dma_start3A_88 = tpu.memref_slice %arg2[%dma_start3A_86, %dma_start3A_87] : memref<1000000x32xf32, #tpu.memory_space<hbm>> -> memref<1000000x32xf32, #tpu.memory_space<hbm>>
    tpu.enqueue_indirect_dma source(%dma_start3A_88 : memref<1000000x32xf32, #tpu.memory_space<hbm>>) target(%dma_start3A_82 : memref<100x32xf32, #tpu.memory_space<vmem>>) offsets(%dma_start3A_85 : memref<100xi32, #tpu.memory_space<vmem>>) semaphore(%arg10 : memref<!tpu.dma_semaphore, #tpu.memory_space<semaphore_mem>>)
    %scan3A = arith.constant 0 : i32
    %scan3A_89 = arith.constant 0 : i32
    %scan3A_90 = arith.constant 16 : i32
    %scan3A_91 = arith.addi %scan3A_89, %scan3A_90 : i32
    %scan3A_92 = arith.constant 1 : i32
    scf.for %scan3A_94 = %scan3A_89 to %scan3A_91 step %scan3A_92  : i32 {
      %mul3A_95 = arith.constant 2 : i32
      %mul3A_96 = arith.muli %scan3A_94, %mul3A_95 : i32
      %add3A_97 = arith.constant 1 : i32
      %add3A_98 = arith.addi %mul3A_96, %add3A_97 : i32
      %mul3A_99 = arith.constant 8 : i32
      %mul3A_100 = arith.muli %add3A_98, %mul3A_99 : i32
      %add3A_101 = arith.constant 0 : i32
      %add3A_102 = arith.addi %mul3A_100, %add3A_101 : i32
      %dma_start3A_103 = arith.constant 0 : i32
      %dma_start3A_104 = arith.constant 0 : i32
      %dma_start3A_105 = tpu.memref_slice %arg7[%dma_start3A_103, %dma_start3A_104] : memref<800x32xf32, #tpu.memory_space<vmem>> -> memref<100x32xf32, #tpu.memory_space<vmem>>
      %dma_start3A_106 = arith.constant 0 : i32
      %dma_start3A_107 = tpu.memref_slice %arg5[%add3A_102, %dma_start3A_106] : memref<256x100xi32, #tpu.memory_space<vmem>> -> memref<1x100xi32, #tpu.memory_space<vmem>>
      %dma_start3A_108 = tpu.memref_squeeze %dma_start3A_107 : memref<1x100xi32, #tpu.memory_space<vmem>> -> memref<100xi32, #tpu.memory_space<vmem>>
      %dma_start3A_109 = arith.constant 0 : i32
      %dma_start3A_110 = arith.constant 0 : i32
      %dma_start3A_111 = tpu.memref_slice %arg2[%dma_start3A_109, %dma_start3A_110] : memref<1000000x32xf32, #tpu.memory_space<hbm>> -> memref<1000000x32xf32, #tpu.memory_space<hbm>>
      tpu.enqueue_indirect_dma source(%dma_start3A_111 : memref<1000000x32xf32, #tpu.memory_space<hbm>>) target(%dma_start3A_105 : memref<100x32xf32, #tpu.memory_space<vmem>>) offsets(%dma_start3A_108 : memref<100xi32, #tpu.memory_space<vmem>>) semaphore(%arg11 : memref<!tpu.dma_semaphore, #tpu.memory_space<semaphore_mem>>)
      %mul3A_112 = arith.constant 8 : i32
      %mul3A_113 = arith.muli %add3A_98, %mul3A_112 : i32
      %add3A_114 = arith.constant 1 : i32
      %add3A_115 = arith.addi %mul3A_113, %add3A_114 : i32
      %dma_start3A_116 = arith.constant 100 : i32
      %dma_start3A_117 = arith.constant 0 : i32
      %dma_start3A_118 = tpu.memref_slice %arg7[%dma_start3A_116, %dma_start3A_117] : memref<800x32xf32, #tpu.memory_space<vmem>> -> memref<100x32xf32, #tpu.memory_space<vmem>>
      %dma_start3A_119 = arith.constant 0 : i32
      %dma_start3A_120 = tpu.memref_slice %arg5[%add3A_115, %dma_start3A_119] : memref<256x100xi32, #tpu.memory_space<vmem>> -> memref<1x100xi32, #tpu.memory_space<vmem>>
      %dma_start3A_121 = tpu.memref_squeeze %dma_start3A_120 : memref<1x100xi32, #tpu.memory_space<vmem>> -> memref<100xi32, #tpu.memory_space<vmem>>
      %dma_start3A_122 = arith.constant 0 : i32
      %dma_start3A_123 = arith.constant 0 : i32
      %dma_start3A_124 = tpu.memref_slice %arg2[%dma_start3A_122, %dma_start3A_123] : memref<1000000x32xf32, #tpu.memory_space<hbm>> -> memref<1000000x32xf32, #tpu.memory_space<hbm>>
      tpu.enqueue_indirect_dma source(%dma_start3A_124 : memref<1000000x32xf32, #tpu.memory_space<hbm>>) target(%dma_start3A_118 : memref<100x32xf32, #tpu.memory_space<vmem>>) offsets(%dma_start3A_121 : memref<100xi32, #tpu.memory_space<vmem>>) semaphore(%arg11 : memref<!tpu.dma_semaphore, #tpu.memory_space<semaphore_mem>>)
      %mul3A_125 = arith.constant 8 : i32
      %mul3A_126 = arith.muli %add3A_98, %mul3A_125 : i32
      %add3A_127 = arith.constant 2 : i32
      %add3A_128 = arith.addi %mul3A_126, %add3A_127 : i32
      %dma_start3A_129 = arith.constant 200 : i32
      %dma_start3A_130 = arith.constant 0 : i32
      %dma_start3A_131 = tpu.memref_slice %arg7[%dma_start3A_129, %dma_start3A_130] : memref<800x32xf32, #tpu.memory_space<vmem>> -> memref<100x32xf32, #tpu.memory_space<vmem>>
      %dma_start3A_132 = arith.constant 0 : i32
      %dma_start3A_133 = tpu.memref_slice %arg5[%add3A_128, %dma_start3A_132] : memref<256x100xi32, #tpu.memory_space<vmem>> -> memref<1x100xi32, #tpu.memory_space<vmem>>
      %dma_start3A_134 = tpu.memref_squeeze %dma_start3A_133 : memref<1x100xi32, #tpu.memory_space<vmem>> -> memref<100xi32, #tpu.memory_space<vmem>>
      %dma_start3A_135 = arith.constant 0 : i32
      %dma_start3A_136 = arith.constant 0 : i32
      %dma_start3A_137 = tpu.memref_slice %arg2[%dma_start3A_135, %dma_start3A_136] : memref<1000000x32xf32, #tpu.memory_space<hbm>> -> memref<1000000x32xf32, #tpu.memory_space<hbm>>
      tpu.enqueue_indirect_dma source(%dma_start3A_137 : memref<1000000x32xf32, #tpu.memory_space<hbm>>) target(%dma_start3A_131 : memref<100x32xf32, #tpu.memory_space<vmem>>) offsets(%dma_start3A_134 : memref<100xi32, #tpu.memory_space<vmem>>) semaphore(%arg11 : memref<!tpu.dma_semaphore, #tpu.memory_space<semaphore_mem>>)
      %mul3A_138 = arith.constant 8 : i32
      %mul3A_139 = arith.muli %add3A_98, %mul3A_138 : i32
      %add3A_140 = arith.constant 3 : i32
      %add3A_141 = arith.addi %mul3A_139, %add3A_140 : i32
      %dma_start3A_142 = arith.constant 300 : i32
      %dma_start3A_143 = arith.constant 0 : i32
      %dma_start3A_144 = tpu.memref_slice %arg7[%dma_start3A_142, %dma_start3A_143] : memref<800x32xf32, #tpu.memory_space<vmem>> -> memref<100x32xf32, #tpu.memory_space<vmem>>
      %dma_start3A_145 = arith.constant 0 : i32
      %dma_start3A_146 = tpu.memref_slice %arg5[%add3A_141, %dma_start3A_145] : memref<256x100xi32, #tpu.memory_space<vmem>> -> memref<1x100xi32, #tpu.memory_space<vmem>>
      %dma_start3A_147 = tpu.memref_squeeze %dma_start3A_146 : memref<1x100xi32, #tpu.memory_space<vmem>> -> memref<100xi32, #tpu.memory_space<vmem>>
      %dma_start3A_148 = arith.constant 0 : i32
      %dma_start3A_149 = arith.constant 0 : i32
      %dma_start3A_150 = tpu.memref_slice %arg2[%dma_start3A_148, %dma_start3A_149] : memref<1000000x32xf32, #tpu.memory_space<hbm>> -> memref<1000000x32xf32, #tpu.memory_space<hbm>>
      tpu.enqueue_indirect_dma source(%dma_start3A_150 : memref<1000000x32xf32, #tpu.memory_space<hbm>>) target(%dma_start3A_144 : memref<100x32xf32, #tpu.memory_space<vmem>>) offsets(%dma_start3A_147 : memref<100xi32, #tpu.memory_space<vmem>>) semaphore(%arg11 : memref<!tpu.dma_semaphore, #tpu.memory_space<semaphore_mem>>)
      %mul3A_151 = arith.constant 8 : i32
      %mul3A_152 = arith.muli %add3A_98, %mul3A_151 : i32
      %add3A_153 = arith.constant 4 : i32
      %add3A_154 = arith.addi %mul3A_152, %add3A_153 : i32
      %dma_start3A_155 = arith.constant 400 : i32
      %dma_start3A_156 = arith.constant 0 : i32
      %dma_start3A_157 = tpu.memref_slice %arg7[%dma_start3A_155, %dma_start3A_156] : memref<800x32xf32, #tpu.memory_space<vmem>> -> memref<100x32xf32, #tpu.memory_space<vmem>>
      %dma_start3A_158 = arith.constant 0 : i32
      %dma_start3A_159 = tpu.memref_slice %arg5[%add3A_154, %dma_start3A_158] : memref<256x100xi32, #tpu.memory_space<vmem>> -> memref<1x100xi32, #tpu.memory_space<vmem>>
      %dma_start3A_160 = tpu.memref_squeeze %dma_start3A_159 : memref<1x100xi32, #tpu.memory_space<vmem>> -> memref<100xi32, #tpu.memory_space<vmem>>
      %dma_start3A_161 = arith.constant 0 : i32
      %dma_start3A_162 = arith.constant 0 : i32
      %dma_start3A_163 = tpu.memref_slice %arg2[%dma_start3A_161, %dma_start3A_162] : memref<1000000x32xf32, #tpu.memory_space<hbm>> -> memref<1000000x32xf32, #tpu.memory_space<hbm>>
      tpu.enqueue_indirect_dma source(%dma_start3A_163 : memref<1000000x32xf32, #tpu.memory_space<hbm>>) target(%dma_start3A_157 : memref<100x32xf32, #tpu.memory_space<vmem>>) offsets(%dma_start3A_160 : memref<100xi32, #tpu.memory_space<vmem>>) semaphore(%arg11 : memref<!tpu.dma_semaphore, #tpu.memory_space<semaphore_mem>>)
      %mul3A_164 = arith.constant 8 : i32
      %mul3A_165 = arith.muli %add3A_98, %mul3A_164 : i32
      %add3A_166 = arith.constant 5 : i32
      %add3A_167 = arith.addi %mul3A_165, %add3A_166 : i32
      %dma_start3A_168 = arith.constant 500 : i32
      %dma_start3A_169 = arith.constant 0 : i32
      %dma_start3A_170 = tpu.memref_slice %arg7[%dma_start3A_168, %dma_start3A_169] : memref<800x32xf32, #tpu.memory_space<vmem>> -> memref<100x32xf32, #tpu.memory_space<vmem>>
      %dma_start3A_171 = arith.constant 0 : i32
      %dma_start3A_172 = tpu.memref_slice %arg5[%add3A_167, %dma_start3A_171] : memref<256x100xi32, #tpu.memory_space<vmem>> -> memref<1x100xi32, #tpu.memory_space<vmem>>
      %dma_start3A_173 = tpu.memref_squeeze %dma_start3A_172 : memref<1x100xi32, #tpu.memory_space<vmem>> -> memref<100xi32, #tpu.memory_space<vmem>>
      %dma_start3A_174 = arith.constant 0 : i32
      %dma_start3A_175 = arith.constant 0 : i32
      %dma_start3A_176 = tpu.memref_slice %arg2[%dma_start3A_174, %dma_start3A_175] : memref<1000000x32xf32, #tpu.memory_space<hbm>> -> memref<1000000x32xf32, #tpu.memory_space<hbm>>
      tpu.enqueue_indirect_dma source(%dma_start3A_176 : memref<1000000x32xf32, #tpu.memory_space<hbm>>) target(%dma_start3A_170 : memref<100x32xf32, #tpu.memory_space<vmem>>) offsets(%dma_start3A_173 : memref<100xi32, #tpu.memory_space<vmem>>) semaphore(%arg11 : memref<!tpu.dma_semaphore, #tpu.memory_space<semaphore_mem>>)
      %mul3A_177 = arith.constant 8 : i32
      %mul3A_178 = arith.muli %add3A_98, %mul3A_177 : i32
      %add3A_179 = arith.constant 6 : i32
      %add3A_180 = arith.addi %mul3A_178, %add3A_179 : i32
      %dma_start3A_181 = arith.constant 600 : i32
      %dma_start3A_182 = arith.constant 0 : i32
      %dma_start3A_183 = tpu.memref_slice %arg7[%dma_start3A_181, %dma_start3A_182] : memref<800x32xf32, #tpu.memory_space<vmem>> -> memref<100x32xf32, #tpu.memory_space<vmem>>
      %dma_start3A_184 = arith.constant 0 : i32
      %dma_start3A_185 = tpu.memref_slice %arg5[%add3A_180, %dma_start3A_184] : memref<256x100xi32, #tpu.memory_space<vmem>> -> memref<1x100xi32, #tpu.memory_space<vmem>>
      %dma_start3A_186 = tpu.memref_squeeze %dma_start3A_185 : memref<1x100xi32, #tpu.memory_space<vmem>> -> memref<100xi32, #tpu.memory_space<vmem>>
      %dma_start3A_187 = arith.constant 0 : i32
      %dma_start3A_188 = arith.constant 0 : i32
      %dma_start3A_189 = tpu.memref_slice %arg2[%dma_start3A_187, %dma_start3A_188] : memref<1000000x32xf32, #tpu.memory_space<hbm>> -> memref<1000000x32xf32, #tpu.memory_space<hbm>>
      tpu.enqueue_indirect_dma source(%dma_start3A_189 : memref<1000000x32xf32, #tpu.memory_space<hbm>>) target(%dma_start3A_183 : memref<100x32xf32, #tpu.memory_space<vmem>>) offsets(%dma_start3A_186 : memref<100xi32, #tpu.memory_space<vmem>>) semaphore(%arg11 : memref<!tpu.dma_semaphore, #tpu.memory_space<semaphore_mem>>)
      %mul3A_190 = arith.constant 8 : i32
      %mul3A_191 = arith.muli %add3A_98, %mul3A_190 : i32
      %add3A_192 = arith.constant 7 : i32
      %add3A_193 = arith.addi %mul3A_191, %add3A_192 : i32
      %dma_start3A_194 = arith.constant 700 : i32
      %dma_start3A_195 = arith.constant 0 : i32
      %dma_start3A_196 = tpu.memref_slice %arg7[%dma_start3A_194, %dma_start3A_195] : memref<800x32xf32, #tpu.memory_space<vmem>> -> memref<100x32xf32, #tpu.memory_space<vmem>>
      %dma_start3A_197 = arith.constant 0 : i32
      %dma_start3A_198 = tpu.memref_slice %arg5[%add3A_193, %dma_start3A_197] : memref<256x100xi32, #tpu.memory_space<vmem>> -> memref<1x100xi32, #tpu.memory_space<vmem>>
      %dma_start3A_199 = tpu.memref_squeeze %dma_start3A_198 : memref<1x100xi32, #tpu.memory_space<vmem>> -> memref<100xi32, #tpu.memory_space<vmem>>
      %dma_start3A_200 = arith.constant 0 : i32
      %dma_start3A_201 = arith.constant 0 : i32
      %dma_start3A_202 = tpu.memref_slice %arg2[%dma_start3A_200, %dma_start3A_201] : memref<1000000x32xf32, #tpu.memory_space<hbm>> -> memref<1000000x32xf32, #tpu.memory_space<hbm>>
      tpu.enqueue_indirect_dma source(%dma_start3A_202 : memref<1000000x32xf32, #tpu.memory_space<hbm>>) target(%dma_start3A_196 : memref<100x32xf32, #tpu.memory_space<vmem>>) offsets(%dma_start3A_199 : memref<100xi32, #tpu.memory_space<vmem>>) semaphore(%arg11 : memref<!tpu.dma_semaphore, #tpu.memory_space<semaphore_mem>>)
      %dma_wait3A_203 = arith.constant 0 : i32
      %dma_wait3A_204 = arith.constant 0 : i32
      %dma_wait3A_205 = tpu.memref_slice %arg2[%dma_wait3A_203, %dma_wait3A_204] : memref<1000000x32xf32, #tpu.memory_space<hbm>> -> memref<800x32xf32, #tpu.memory_space<hbm>>
      %dma_wait3A_206 = arith.constant 0 : i32
      %dma_wait3A_207 = arith.constant 0 : i32
      %dma_wait3A_208 = tpu.memref_slice %arg2[%dma_wait3A_206, %dma_wait3A_207] : memref<1000000x32xf32, #tpu.memory_space<hbm>> -> memref<800x32xf32, #tpu.memory_space<hbm>>
      tpu.wait_dma2 semaphore(%arg10 : memref<!tpu.dma_semaphore, #tpu.memory_space<semaphore_mem>>) src(%dma_wait3A_208 : memref<800x32xf32, #tpu.memory_space<hbm>>) dst(%arg6 : memref<800x32xf32, #tpu.memory_space<vmem>>)
      %scan3A_209 = arith.constant 0 : i32
      %scan3A_210 = arith.constant 0 : i32
      %scan3A_211 = arith.constant 4 : i32
      %scan3A_212 = arith.addi %scan3A_210, %scan3A_211 : i32
      %scan3A_213 = arith.constant 1 : i32
      scf.for %scan3A_241 = %scan3A_210 to %scan3A_212 step %scan3A_213  : i32 {
        %broadcast_in_dim3A = arith.constant 0.000000e+00 : f32
        %broadcast_in_dim3A_242 = vector.broadcast %broadcast_in_dim3A : f32 to vector<16xf32>
        %scan3A_243 = arith.constant 0 : i32
        %scan3A_244 = arith.constant 25 : i32
        %scan3A_245 = arith.addi %scan3A_243, %scan3A_244 : i32
        %scan3A_246 = arith.constant 1 : i32
        %scan3A_247:2 = scf.for %scan3A_258 = %scan3A_243 to %scan3A_245 step %scan3A_246 iter_args(%scan3A_259 = %broadcast_in_dim3A_242, %scan3A_260 = %broadcast_in_dim3A_242) -> (vector<16xf32>, vector<16xf32>)  : i32 {
          %mul3A_261 = arith.constant 200 : i32
          %mul3A_262 = arith.muli %scan3A_241, %mul3A_261 : i32
          %mul3A_263 = arith.constant 8 : i32
          %mul3A_264 = arith.muli %scan3A_258, %mul3A_263 : i32
          %add3A_265 = arith.addi %mul3A_262, %mul3A_264 : i32
          %add3A_266 = arith.constant 0 : i32
          %add3A_267 = arith.addi %add3A_265, %add3A_266 : i32
          %get3A = arith.index_cast %add3A_267 : i32 to index
          %get3A_268 = arith.constant 0 : index
          %get3A_269 = tpu.vector_load %arg6[%get3A, %get3A_268] {strides = array<i32>} : memref<800x32xf32, #tpu.memory_space<vmem>>, vector<1x16xf32>,
          %get3A_270 = vector.shape_cast %get3A_269 : vector<1x16xf32> to vector<16xf32>
          %add3A_271 = arith.addf %scan3A_259, %get3A_270 : vector<16xf32>
          %add3A_272 = arith.constant 0 : i32
          %add3A_273 = arith.addi %add3A_265, %add3A_272 : i32
          %get3A_274 = arith.index_cast %add3A_273 : i32 to index
          %get3A_275 = arith.constant 16 : index
          %get3A_276 = tpu.vector_load %arg6[%get3A_274, %get3A_275] {strides = array<i32>} : memref<800x32xf32, #tpu.memory_space<vmem>>, vector<1x16xf32>,
          %get3A_277 = vector.shape_cast %get3A_276 : vector<1x16xf32> to vector<16xf32>
          %add3A_278 = arith.addf %scan3A_260, %get3A_277 : vector<16xf32>
          %add3A_279 = arith.constant 1 : i32
          %add3A_280 = arith.addi %add3A_265, %add3A_279 : i32
          %get3A_281 = arith.index_cast %add3A_280 : i32 to index
          %get3A_282 = arith.constant 0 : index
          %get3A_283 = tpu.vector_load %arg6[%get3A_281, %get3A_282] {strides = array<i32>} : memref<800x32xf32, #tpu.memory_space<vmem>>, vector<1x16xf32>,
          %get3A_284 = vector.shape_cast %get3A_283 : vector<1x16xf32> to vector<16xf32>
          %add3A_285 = arith.addf %add3A_271, %get3A_284 : vector<16xf32>
          %add3A_286 = arith.constant 1 : i32
          %add3A_287 = arith.addi %add3A_265, %add3A_286 : i32
          %get3A_288 = arith.index_cast %add3A_287 : i32 to index
          %get3A_289 = arith.constant 16 : index
          %get3A_290 = tpu.vector_load %arg6[%get3A_288, %get3A_289] {strides = array<i32>} : memref<800x32xf32, #tpu.memory_space<vmem>>, vector<1x16xf32>,
          %get3A_291 = vector.shape_cast %get3A_290 : vector<1x16xf32> to vector<16xf32>
          %add3A_292 = arith.addf %add3A_278, %get3A_291 : vector<16xf32>
          %add3A_293 = arith.constant 2 : i32
          %add3A_294 = arith.addi %add3A_265, %add3A_293 : i32
          %get3A_295 = arith.index_cast %add3A_294 : i32 to index
          %get3A_296 = arith.constant 0 : index
          %get3A_297 = tpu.vector_load %arg6[%get3A_295, %get3A_296] {strides = array<i32>} : memref<800x32xf32, #tpu.memory_space<vmem>>, vector<1x16xf32>,
          %get3A_298 = vector.shape_cast %get3A_297 : vector<1x16xf32> to vector<16xf32>
          %add3A_299 = arith.addf %add3A_285, %get3A_298 : vector<16xf32>
          %add3A_300 = arith.constant 2 : i32
          %add3A_301 = arith.addi %add3A_265, %add3A_300 : i32
          %get3A_302 = arith.index_cast %add3A_301 : i32 to index
          %get3A_303 = arith.constant 16 : index
          %get3A_304 = tpu.vector_load %arg6[%get3A_302, %get3A_303] {strides = array<i32>} : memref<800x32xf32, #tpu.memory_space<vmem>>, vector<1x16xf32>,
          %get3A_305 = vector.shape_cast %get3A_304 : vector<1x16xf32> to vector<16xf32>
          %add3A_306 = arith.addf %add3A_292, %get3A_305 : vector<16xf32>
          %add3A_307 = arith.constant 3 : i32
          %add3A_308 = arith.addi %add3A_265, %add3A_307 : i32
          %get3A_309 = arith.index_cast %add3A_308 : i32 to index
          %get3A_310 = arith.constant 0 : index
          %get3A_311 = tpu.vector_load %arg6[%get3A_309, %get3A_310] {strides = array<i32>} : memref<800x32xf32, #tpu.memory_space<vmem>>, vector<1x16xf32>,
          %get3A_312 = vector.shape_cast %get3A_311 : vector<1x16xf32> to vector<16xf32>
          %add3A_313 = arith.addf %add3A_299, %get3A_312 : vector<16xf32>
          %add3A_314 = arith.constant 3 : i32
          %add3A_315 = arith.addi %add3A_265, %add3A_314 : i32
          %get3A_316 = arith.index_cast %add3A_315 : i32 to index
          %get3A_317 = arith.constant 16 : index
          %get3A_318 = tpu.vector_load %arg6[%get3A_316, %get3A_317] {strides = array<i32>} : memref<800x32xf32, #tpu.memory_space<vmem>>, vector<1x16xf32>,
          %get3A_319 = vector.shape_cast %get3A_318 : vector<1x16xf32> to vector<16xf32>
          %add3A_320 = arith.addf %add3A_306, %get3A_319 : vector<16xf32>
          %add3A_321 = arith.constant 4 : i32
          %add3A_322 = arith.addi %add3A_265, %add3A_321 : i32
          %get3A_323 = arith.index_cast %add3A_322 : i32 to index
          %get3A_324 = arith.constant 0 : index
          %get3A_325 = tpu.vector_load %arg6[%get3A_323, %get3A_324] {strides = array<i32>} : memref<800x32xf32, #tpu.memory_space<vmem>>, vector<1x16xf32>,
          %get3A_326 = vector.shape_cast %get3A_325 : vector<1x16xf32> to vector<16xf32>
          %add3A_327 = arith.addf %add3A_313, %get3A_326 : vector<16xf32>
          %add3A_328 = arith.constant 4 : i32
          %add3A_329 = arith.addi %add3A_265, %add3A_328 : i32
          %get3A_330 = arith.index_cast %add3A_329 : i32 to index
          %get3A_331 = arith.constant 16 : index
          %get3A_332 = tpu.vector_load %arg6[%get3A_330, %get3A_331] {strides = array<i32>} : memref<800x32xf32, #tpu.memory_space<vmem>>, vector<1x16xf32>,
          %get3A_333 = vector.shape_cast %get3A_332 : vector<1x16xf32> to vector<16xf32>
          %add3A_334 = arith.addf %add3A_320, %get3A_333 : vector<16xf32>
          %add3A_335 = arith.constant 5 : i32
          %add3A_336 = arith.addi %add3A_265, %add3A_335 : i32
          %get3A_337 = arith.index_cast %add3A_336 : i32 to index
          %get3A_338 = arith.constant 0 : index
          %get3A_339 = tpu.vector_load %arg6[%get3A_337, %get3A_338] {strides = array<i32>} : memref<800x32xf32, #tpu.memory_space<vmem>>, vector<1x16xf32>,
          %get3A_340 = vector.shape_cast %get3A_339 : vector<1x16xf32> to vector<16xf32>
          %add3A_341 = arith.addf %add3A_327, %get3A_340 : vector<16xf32>
          %add3A_342 = arith.constant 5 : i32
          %add3A_343 = arith.addi %add3A_265, %add3A_342 : i32
          %get3A_344 = arith.index_cast %add3A_343 : i32 to index
          %get3A_345 = arith.constant 16 : index
          %get3A_346 = tpu.vector_load %arg6[%get3A_344, %get3A_345] {strides = array<i32>} : memref<800x32xf32, #tpu.memory_space<vmem>>, vector<1x16xf32>,
          %get3A_347 = vector.shape_cast %get3A_346 : vector<1x16xf32> to vector<16xf32>
          %add3A_348 = arith.addf %add3A_334, %get3A_347 : vector<16xf32>
          %add3A_349 = arith.constant 6 : i32
          %add3A_350 = arith.addi %add3A_265, %add3A_349 : i32
          %get3A_351 = arith.index_cast %add3A_350 : i32 to index
          %get3A_352 = arith.constant 0 : index
          %get3A_353 = tpu.vector_load %arg6[%get3A_351, %get3A_352] {strides = array<i32>} : memref<800x32xf32, #tpu.memory_space<vmem>>, vector<1x16xf32>,
          %get3A_354 = vector.shape_cast %get3A_353 : vector<1x16xf32> to vector<16xf32>
          %add3A_355 = arith.addf %add3A_341, %get3A_354 : vector<16xf32>
          %add3A_356 = arith.constant 6 : i32
          %add3A_357 = arith.addi %add3A_265, %add3A_356 : i32
          %get3A_358 = arith.index_cast %add3A_357 : i32 to index
          %get3A_359 = arith.constant 16 : index
          %get3A_360 = tpu.vector_load %arg6[%get3A_358, %get3A_359] {strides = array<i32>} : memref<800x32xf32, #tpu.memory_space<vmem>>, vector<1x16xf32>,
          %get3A_361 = vector.shape_cast %get3A_360 : vector<1x16xf32> to vector<16xf32>
          %add3A_362 = arith.addf %add3A_348, %get3A_361 : vector<16xf32>
          %add3A_363 = arith.constant 7 : i32
          %add3A_364 = arith.addi %add3A_265, %add3A_363 : i32
          %get3A_365 = arith.index_cast %add3A_364 : i32 to index
          %get3A_366 = arith.constant 0 : index
          %get3A_367 = tpu.vector_load %arg6[%get3A_365, %get3A_366] {strides = array<i32>} : memref<800x32xf32, #tpu.memory_space<vmem>>, vector<1x16xf32>,
          %get3A_368 = vector.shape_cast %get3A_367 : vector<1x16xf32> to vector<16xf32>
          %add3A_369 = arith.addf %add3A_355, %get3A_368 : vector<16xf32>
          %add3A_370 = arith.constant 7 : i32
          %add3A_371 = arith.addi %add3A_265, %add3A_370 : i32
          %get3A_372 = arith.index_cast %add3A_371 : i32 to index
          %get3A_373 = arith.constant 16 : index
          %get3A_374 = tpu.vector_load %arg6[%get3A_372, %get3A_373] {strides = array<i32>} : memref<800x32xf32, #tpu.memory_space<vmem>>, vector<1x16xf32>,
          %get3A_375 = vector.shape_cast %get3A_374 : vector<1x16xf32> to vector<16xf32>
          %add3A_376 = arith.addf %add3A_362, %get3A_375 : vector<16xf32>
          scf.yield %add3A_369, %add3A_376 : vector<16xf32>, vector<16xf32>
        }
        %scan3A_248 = arith.constant 25 : i32
        %swap3A = arith.index_cast %scan3A_241 : i32 to index
        %swap3A_249 = arith.constant 0 : index
        %swap3A_250 = tpu.vector_load %arg8[%swap3A, %swap3A_249] {strides = array<i32>} : memref<4x32xf32, #tpu.memory_space<vmem>>, vector<1x16xf32>,
        %swap3A_251 = vector.shape_cast %swap3A_250 : vector<1x16xf32> to vector<16xf32>
        %swap3A_252 = vector.shape_cast %scan3A_247#0 : vector<16xf32> to vector<1x16xf32>
        tpu.vector_store %arg8[%swap3A, %swap3A_249], %swap3A_252 {strides = array<i32>} : memref<4x32xf32, #tpu.memory_space<vmem>>, vector<1x16xf32>,
        %swap3A_253 = arith.index_cast %scan3A_241 : i32 to index
        %swap3A_254 = arith.constant 16 : index
        %swap3A_255 = tpu.vector_load %arg8[%swap3A_253, %swap3A_254] {strides = array<i32>} : memref<4x32xf32, #tpu.memory_space<vmem>>, vector<1x16xf32>,
        %swap3A_256 = vector.shape_cast %swap3A_255 : vector<1x16xf32> to vector<16xf32>
        %swap3A_257 = vector.shape_cast %scan3A_247#1 : vector<16xf32> to vector<1x16xf32>
        tpu.vector_store %arg8[%swap3A_253, %swap3A_254], %swap3A_257 {strides = array<i32>} : memref<4x32xf32, #tpu.memory_space<vmem>>, vector<1x16xf32>,
      }
      %scan3A_214 = arith.constant 4 : i32
      %mul3A_215 = arith.constant 128 : i32
      %mul3A_216 = arith.muli %add3A, %mul3A_215 : i32
      %mul3A_217 = arith.constant 4 : i32
      %mul3A_218 = arith.muli %mul3A_96, %mul3A_217 : i32
      %add3A_219 = arith.addi %mul3A_216, %mul3A_218 : i32
      "tpu.region"() ({
        %run_scoped3A = tpu.sem_alloc : memref<!tpu.dma_semaphore, #tpu.memory_space<semaphore_mem>>
        %dma_start3A_241 = arith.constant 0 : i32
        %dma_start3A_242 = tpu.memref_slice %arg4[%add3A_219, %dma_start3A_241] : memref<4096x32xf32, #tpu.memory_space<hbm>> -> memref<4x32xf32, #tpu.memory_space<hbm>>
        %dma_start3A_243 = arith.constant 0 : i32
        %dma_start3A_244 = tpu.memref_slice %arg4[%add3A_219, %dma_start3A_243] : memref<4096x32xf32, #tpu.memory_space<hbm>> -> memref<4x32xf32, #tpu.memory_space<hbm>>
        tpu.enqueue_dma source(%arg8 : memref<4x32xf32, #tpu.memory_space<vmem>>) target(%dma_start3A_244 : memref<4x32xf32, #tpu.memory_space<hbm>>) target_semaphore(%run_scoped3A : memref<!tpu.dma_semaphore, #tpu.memory_space<semaphore_mem>>)
        %dma_wait3A_245 = arith.constant 0 : i32
        %dma_wait3A_246 = tpu.memref_slice %arg4[%add3A_219, %dma_wait3A_245] : memref<4096x32xf32, #tpu.memory_space<hbm>> -> memref<4x32xf32, #tpu.memory_space<hbm>>
        %dma_wait3A_247 = arith.constant 0 : i32
        %dma_wait3A_248 = tpu.memref_slice %arg4[%add3A_219, %dma_wait3A_247] : memref<4096x32xf32, #tpu.memory_space<hbm>> -> memref<4x32xf32, #tpu.memory_space<hbm>>
        tpu.wait_dma2 semaphore(%run_scoped3A : memref<!tpu.dma_semaphore, #tpu.memory_space<semaphore_mem>>) src(%arg8 : memref<4x32xf32, #tpu.memory_space<vmem>>) dst(%dma_wait3A_248 : memref<4x32xf32, #tpu.memory_space<hbm>>)
        tpu.yield
      }) : () -> ()
      %lt3A = arith.constant 15 : i32
      %lt3A_220 = arith.cmpi slt, %scan3A_94, %lt3A : i32
      %convert_element_type3A = arith.extui %lt3A_220 : i1 to i32
      %cond3A = arith.constant 0 : i32
      %cond3A_221 = arith.cmpi ne, %convert_element_type3A, %cond3A : i32
      scf.if %cond3A_221 {
        %add3A_241 = arith.constant 2 : i32
        %add3A_242 = arith.addi %mul3A_96, %add3A_241 : i32
        %mul3A_243 = arith.constant 8 : i32
        %mul3A_244 = arith.muli %add3A_242, %mul3A_243 : i32
        %add3A_245 = arith.constant 0 : i32
        %add3A_246 = arith.addi %mul3A_244, %add3A_245 : i32
        %dma_start3A_247 = arith.constant 0 : i32
        %dma_start3A_248 = arith.constant 0 : i32
        %dma_start3A_249 = tpu.memref_slice %arg6[%dma_start3A_247, %dma_start3A_248] : memref<800x32xf32, #tpu.memory_space<vmem>> -> memref<100x32xf32, #tpu.memory_space<vmem>>
        %dma_start3A_250 = arith.constant 0 : i32
        %dma_start3A_251 = tpu.memref_slice %arg5[%add3A_246, %dma_start3A_250] : memref<256x100xi32, #tpu.memory_space<vmem>> -> memref<1x100xi32, #tpu.memory_space<vmem>>
        %dma_start3A_252 = tpu.memref_squeeze %dma_start3A_251 : memref<1x100xi32, #tpu.memory_space<vmem>> -> memref<100xi32, #tpu.memory_space<vmem>>
        %dma_start3A_253 = arith.constant 0 : i32
        %dma_start3A_254 = arith.constant 0 : i32
        %dma_start3A_255 = tpu.memref_slice %arg2[%dma_start3A_253, %dma_start3A_254] : memref<1000000x32xf32, #tpu.memory_space<hbm>> -> memref<1000000x32xf32, #tpu.memory_space<hbm>>
        tpu.enqueue_indirect_dma source(%dma_start3A_255 : memref<1000000x32xf32, #tpu.memory_space<hbm>>) target(%dma_start3A_249 : memref<100x32xf32, #tpu.memory_space<vmem>>) offsets(%dma_start3A_252 : memref<100xi32, #tpu.memory_space<vmem>>) semaphore(%arg10 : memref<!tpu.dma_semaphore, #tpu.memory_space<semaphore_mem>>)
        %mul3A_256 = arith.constant 8 : i32
        %mul3A_257 = arith.muli %add3A_242, %mul3A_256 : i32
        %add3A_258 = arith.constant 1 : i32
        %add3A_259 = arith.addi %mul3A_257, %add3A_258 : i32
        %dma_start3A_260 = arith.constant 100 : i32
        %dma_start3A_261 = arith.constant 0 : i32
        %dma_start3A_262 = tpu.memref_slice %arg6[%dma_start3A_260, %dma_start3A_261] : memref<800x32xf32, #tpu.memory_space<vmem>> -> memref<100x32xf32, #tpu.memory_space<vmem>>
        %dma_start3A_263 = arith.constant 0 : i32
        %dma_start3A_264 = tpu.memref_slice %arg5[%add3A_259, %dma_start3A_263] : memref<256x100xi32, #tpu.memory_space<vmem>> -> memref<1x100xi32, #tpu.memory_space<vmem>>
        %dma_start3A_265 = tpu.memref_squeeze %dma_start3A_264 : memref<1x100xi32, #tpu.memory_space<vmem>> -> memref<100xi32, #tpu.memory_space<vmem>>
        %dma_start3A_266 = arith.constant 0 : i32
        %dma_start3A_267 = arith.constant 0 : i32
        %dma_start3A_268 = tpu.memref_slice %arg2[%dma_start3A_266, %dma_start3A_267] : memref<1000000x32xf32, #tpu.memory_space<hbm>> -> memref<1000000x32xf32, #tpu.memory_space<hbm>>
        tpu.enqueue_indirect_dma source(%dma_start3A_268 : memref<1000000x32xf32, #tpu.memory_space<hbm>>) target(%dma_start3A_262 : memref<100x32xf32, #tpu.memory_space<vmem>>) offsets(%dma_start3A_265 : memref<100xi32, #tpu.memory_space<vmem>>) semaphore(%arg10 : memref<!tpu.dma_semaphore, #tpu.memory_space<semaphore_mem>>)
        %mul3A_269 = arith.constant 8 : i32
        %mul3A_270 = arith.muli %add3A_242, %mul3A_269 : i32
        %add3A_271 = arith.constant 2 : i32
        %add3A_272 = arith.addi %mul3A_270, %add3A_271 : i32
        %dma_start3A_273 = arith.constant 200 : i32
        %dma_start3A_274 = arith.constant 0 : i32
        %dma_start3A_275 = tpu.memref_slice %arg6[%dma_start3A_273, %dma_start3A_274] : memref<800x32xf32, #tpu.memory_space<vmem>> -> memref<100x32xf32, #tpu.memory_space<vmem>>
        %dma_start3A_276 = arith.constant 0 : i32
        %dma_start3A_277 = tpu.memref_slice %arg5[%add3A_272, %dma_start3A_276] : memref<256x100xi32, #tpu.memory_space<vmem>> -> memref<1x100xi32, #tpu.memory_space<vmem>>
        %dma_start3A_278 = tpu.memref_squeeze %dma_start3A_277 : memref<1x100xi32, #tpu.memory_space<vmem>> -> memref<100xi32, #tpu.memory_space<vmem>>
        %dma_start3A_279 = arith.constant 0 : i32
        %dma_start3A_280 = arith.constant 0 : i32
        %dma_start3A_281 = tpu.memref_slice %arg2[%dma_start3A_279, %dma_start3A_280] : memref<1000000x32xf32, #tpu.memory_space<hbm>> -> memref<1000000x32xf32, #tpu.memory_space<hbm>>
        tpu.enqueue_indirect_dma source(%dma_start3A_281 : memref<1000000x32xf32, #tpu.memory_space<hbm>>) target(%dma_start3A_275 : memref<100x32xf32, #tpu.memory_space<vmem>>) offsets(%dma_start3A_278 : memref<100xi32, #tpu.memory_space<vmem>>) semaphore(%arg10 : memref<!tpu.dma_semaphore, #tpu.memory_space<semaphore_mem>>)
        %mul3A_282 = arith.constant 8 : i32
        %mul3A_283 = arith.muli %add3A_242, %mul3A_282 : i32
        %add3A_284 = arith.constant 3 : i32
        %add3A_285 = arith.addi %mul3A_283, %add3A_284 : i32
        %dma_start3A_286 = arith.constant 300 : i32
        %dma_start3A_287 = arith.constant 0 : i32
        %dma_start3A_288 = tpu.memref_slice %arg6[%dma_start3A_286, %dma_start3A_287] : memref<800x32xf32, #tpu.memory_space<vmem>> -> memref<100x32xf32, #tpu.memory_space<vmem>>
        %dma_start3A_289 = arith.constant 0 : i32
        %dma_start3A_290 = tpu.memref_slice %arg5[%add3A_285, %dma_start3A_289] : memref<256x100xi32, #tpu.memory_space<vmem>> -> memref<1x100xi32, #tpu.memory_space<vmem>>
        %dma_start3A_291 = tpu.memref_squeeze %dma_start3A_290 : memref<1x100xi32, #tpu.memory_space<vmem>> -> memref<100xi32, #tpu.memory_space<vmem>>
        %dma_start3A_292 = arith.constant 0 : i32
        %dma_start3A_293 = arith.constant 0 : i32
        %dma_start3A_294 = tpu.memref_slice %arg2[%dma_start3A_292, %dma_start3A_293] : memref<1000000x32xf32, #tpu.memory_space<hbm>> -> memref<1000000x32xf32, #tpu.memory_space<hbm>>
        tpu.enqueue_indirect_dma source(%dma_start3A_294 : memref<1000000x32xf32, #tpu.memory_space<hbm>>) target(%dma_start3A_288 : memref<100x32xf32, #tpu.memory_space<vmem>>) offsets(%dma_start3A_291 : memref<100xi32, #tpu.memory_space<vmem>>) semaphore(%arg10 : memref<!tpu.dma_semaphore, #tpu.memory_space<semaphore_mem>>)
        %mul3A_295 = arith.constant 8 : i32
        %mul3A_296 = arith.muli %add3A_242, %mul3A_295 : i32
        %add3A_297 = arith.constant 4 : i32
        %add3A_298 = arith.addi %mul3A_296, %add3A_297 : i32
        %dma_start3A_299 = arith.constant 400 : i32
        %dma_start3A_300 = arith.constant 0 : i32
        %dma_start3A_301 = tpu.memref_slice %arg6[%dma_start3A_299, %dma_start3A_300] : memref<800x32xf32, #tpu.memory_space<vmem>> -> memref<100x32xf32, #tpu.memory_space<vmem>>
        %dma_start3A_302 = arith.constant 0 : i32
        %dma_start3A_303 = tpu.memref_slice %arg5[%add3A_298, %dma_start3A_302] : memref<256x100xi32, #tpu.memory_space<vmem>> -> memref<1x100xi32, #tpu.memory_space<vmem>>
        %dma_start3A_304 = tpu.memref_squeeze %dma_start3A_303 : memref<1x100xi32, #tpu.memory_space<vmem>> -> memref<100xi32, #tpu.memory_space<vmem>>
        %dma_start3A_305 = arith.constant 0 : i32
        %dma_start3A_306 = arith.constant 0 : i32
        %dma_start3A_307 = tpu.memref_slice %arg2[%dma_start3A_305, %dma_start3A_306] : memref<1000000x32xf32, #tpu.memory_space<hbm>> -> memref<1000000x32xf32, #tpu.memory_space<hbm>>
        tpu.enqueue_indirect_dma source(%dma_start3A_307 : memref<1000000x32xf32, #tpu.memory_space<hbm>>) target(%dma_start3A_301 : memref<100x32xf32, #tpu.memory_space<vmem>>) offsets(%dma_start3A_304 : memref<100xi32, #tpu.memory_space<vmem>>) semaphore(%arg10 : memref<!tpu.dma_semaphore, #tpu.memory_space<semaphore_mem>>)
        %mul3A_308 = arith.constant 8 : i32
        %mul3A_309 = arith.muli %add3A_242, %mul3A_308 : i32
        %add3A_310 = arith.constant 5 : i32
        %add3A_311 = arith.addi %mul3A_309, %add3A_310 : i32
        %dma_start3A_312 = arith.constant 500 : i32
        %dma_start3A_313 = arith.constant 0 : i32
        %dma_start3A_314 = tpu.memref_slice %arg6[%dma_start3A_312, %dma_start3A_313] : memref<800x32xf32, #tpu.memory_space<vmem>> -> memref<100x32xf32, #tpu.memory_space<vmem>>
        %dma_start3A_315 = arith.constant 0 : i32
        %dma_start3A_316 = tpu.memref_slice %arg5[%add3A_311, %dma_start3A_315] : memref<256x100xi32, #tpu.memory_space<vmem>> -> memref<1x100xi32, #tpu.memory_space<vmem>>
        %dma_start3A_317 = tpu.memref_squeeze %dma_start3A_316 : memref<1x100xi32, #tpu.memory_space<vmem>> -> memref<100xi32, #tpu.memory_space<vmem>>
        %dma_start3A_318 = arith.constant 0 : i32
        %dma_start3A_319 = arith.constant 0 : i32
        %dma_start3A_320 = tpu.memref_slice %arg2[%dma_start3A_318, %dma_start3A_319] : memref<1000000x32xf32, #tpu.memory_space<hbm>> -> memref<1000000x32xf32, #tpu.memory_space<hbm>>
        tpu.enqueue_indirect_dma source(%dma_start3A_320 : memref<1000000x32xf32, #tpu.memory_space<hbm>>) target(%dma_start3A_314 : memref<100x32xf32, #tpu.memory_space<vmem>>) offsets(%dma_start3A_317 : memref<100xi32, #tpu.memory_space<vmem>>) semaphore(%arg10 : memref<!tpu.dma_semaphore, #tpu.memory_space<semaphore_mem>>)
        %mul3A_321 = arith.constant 8 : i32
        %mul3A_322 = arith.muli %add3A_242, %mul3A_321 : i32
        %add3A_323 = arith.constant 6 : i32
        %add3A_324 = arith.addi %mul3A_322, %add3A_323 : i32
        %dma_start3A_325 = arith.constant 600 : i32
        %dma_start3A_326 = arith.constant 0 : i32
        %dma_start3A_327 = tpu.memref_slice %arg6[%dma_start3A_325, %dma_start3A_326] : memref<800x32xf32, #tpu.memory_space<vmem>> -> memref<100x32xf32, #tpu.memory_space<vmem>>
        %dma_start3A_328 = arith.constant 0 : i32
        %dma_start3A_329 = tpu.memref_slice %arg5[%add3A_324, %dma_start3A_328] : memref<256x100xi32, #tpu.memory_space<vmem>> -> memref<1x100xi32, #tpu.memory_space<vmem>>
        %dma_start3A_330 = tpu.memref_squeeze %dma_start3A_329 : memref<1x100xi32, #tpu.memory_space<vmem>> -> memref<100xi32, #tpu.memory_space<vmem>>
        %dma_start3A_331 = arith.constant 0 : i32
        %dma_start3A_332 = arith.constant 0 : i32
        %dma_start3A_333 = tpu.memref_slice %arg2[%dma_start3A_331, %dma_start3A_332] : memref<1000000x32xf32, #tpu.memory_space<hbm>> -> memref<1000000x32xf32, #tpu.memory_space<hbm>>
        tpu.enqueue_indirect_dma source(%dma_start3A_333 : memref<1000000x32xf32, #tpu.memory_space<hbm>>) target(%dma_start3A_327 : memref<100x32xf32, #tpu.memory_space<vmem>>) offsets(%dma_start3A_330 : memref<100xi32, #tpu.memory_space<vmem>>) semaphore(%arg10 : memref<!tpu.dma_semaphore, #tpu.memory_space<semaphore_mem>>)
        %mul3A_334 = arith.constant 8 : i32
        %mul3A_335 = arith.muli %add3A_242, %mul3A_334 : i32
        %add3A_336 = arith.constant 7 : i32
        %add3A_337 = arith.addi %mul3A_335, %add3A_336 : i32
        %dma_start3A_338 = arith.constant 700 : i32
        %dma_start3A_339 = arith.constant 0 : i32
        %dma_start3A_340 = tpu.memref_slice %arg6[%dma_start3A_338, %dma_start3A_339] : memref<800x32xf32, #tpu.memory_space<vmem>> -> memref<100x32xf32, #tpu.memory_space<vmem>>
        %dma_start3A_341 = arith.constant 0 : i32
        %dma_start3A_342 = tpu.memref_slice %arg5[%add3A_337, %dma_start3A_341] : memref<256x100xi32, #tpu.memory_space<vmem>> -> memref<1x100xi32, #tpu.memory_space<vmem>>
        %dma_start3A_343 = tpu.memref_squeeze %dma_start3A_342 : memref<1x100xi32, #tpu.memory_space<vmem>> -> memref<100xi32, #tpu.memory_space<vmem>>
        %dma_start3A_344 = arith.constant 0 : i32
        %dma_start3A_345 = arith.constant 0 : i32
        %dma_start3A_346 = tpu.memref_slice %arg2[%dma_start3A_344, %dma_start3A_345] : memref<1000000x32xf32, #tpu.memory_space<hbm>> -> memref<1000000x32xf32, #tpu.memory_space<hbm>>
        tpu.enqueue_indirect_dma source(%dma_start3A_346 : memref<1000000x32xf32, #tpu.memory_space<hbm>>) target(%dma_start3A_340 : memref<100x32xf32, #tpu.memory_space<vmem>>) offsets(%dma_start3A_343 : memref<100xi32, #tpu.memory_space<vmem>>) semaphore(%arg10 : memref<!tpu.dma_semaphore, #tpu.memory_space<semaphore_mem>>)
      } else {
      }
      %dma_wait3A_222 = arith.constant 0 : i32
      %dma_wait3A_223 = arith.constant 0 : i32
      %dma_wait3A_224 = tpu.memref_slice %arg2[%dma_wait3A_222, %dma_wait3A_223] : memref<1000000x32xf32, #tpu.memory_space<hbm>> -> memref<800x32xf32, #tpu.memory_space<hbm>>
      %dma_wait3A_225 = arith.constant 0 : i32
      %dma_wait3A_226 = arith.constant 0 : i32
      %dma_wait3A_227 = tpu.memref_slice %arg2[%dma_wait3A_225, %dma_wait3A_226] : memref<1000000x32xf32, #tpu.memory_space<hbm>> -> memref<800x32xf32, #tpu.memory_space<hbm>>
      tpu.wait_dma2 semaphore(%arg11 : memref<!tpu.dma_semaphore, #tpu.memory_space<semaphore_mem>>) src(%dma_wait3A_227 : memref<800x32xf32, #tpu.memory_space<hbm>>) dst(%arg7 : memref<800x32xf32, #tpu.memory_space<vmem>>)
      %add3A_228 = arith.constant 1 : i32
      %add3A_229 = arith.addi %mul3A_96, %add3A_228 : i32
      %scan3A_230 = arith.constant 0 : i32
      %scan3A_231 = arith.constant 0 : i32
      %scan3A_232 = arith.constant 4 : i32
      %scan3A_233 = arith.addi %scan3A_231, %scan3A_232 : i32
      %scan3A_234 = arith.constant 1 : i32
      scf.for %scan3A_241 = %scan3A_231 to %scan3A_233 step %scan3A_234  : i32 {
        %broadcast_in_dim3A = arith.constant 0.000000e+00 : f32
        %broadcast_in_dim3A_242 = vector.broadcast %broadcast_in_dim3A : f32 to vector<16xf32>
        %scan3A_243 = arith.constant 0 : i32
        %scan3A_244 = arith.constant 25 : i32
        %scan3A_245 = arith.addi %scan3A_243, %scan3A_244 : i32
        %scan3A_246 = arith.constant 1 : i32
        %scan3A_247:2 = scf.for %scan3A_258 = %scan3A_243 to %scan3A_245 step %scan3A_246 iter_args(%scan3A_259 = %broadcast_in_dim3A_242, %scan3A_260 = %broadcast_in_dim3A_242) -> (vector<16xf32>, vector<16xf32>)  : i32 {
          %mul3A_261 = arith.constant 200 : i32
          %mul3A_262 = arith.muli %scan3A_241, %mul3A_261 : i32
          %mul3A_263 = arith.constant 8 : i32
          %mul3A_264 = arith.muli %scan3A_258, %mul3A_263 : i32
          %add3A_265 = arith.addi %mul3A_262, %mul3A_264 : i32
          %add3A_266 = arith.constant 0 : i32
          %add3A_267 = arith.addi %add3A_265, %add3A_266 : i32
          %get3A = arith.index_cast %add3A_267 : i32 to index
          %get3A_268 = arith.constant 0 : index
          %get3A_269 = tpu.vector_load %arg7[%get3A, %get3A_268] {strides = array<i32>} : memref<800x32xf32, #tpu.memory_space<vmem>>, vector<1x16xf32>,
          %get3A_270 = vector.shape_cast %get3A_269 : vector<1x16xf32> to vector<16xf32>
          %add3A_271 = arith.addf %scan3A_259, %get3A_270 : vector<16xf32>
          %add3A_272 = arith.constant 0 : i32
          %add3A_273 = arith.addi %add3A_265, %add3A_272 : i32
          %get3A_274 = arith.index_cast %add3A_273 : i32 to index
          %get3A_275 = arith.constant 16 : index
          %get3A_276 = tpu.vector_load %arg7[%get3A_274, %get3A_275] {strides = array<i32>} : memref<800x32xf32, #tpu.memory_space<vmem>>, vector<1x16xf32>,
          %get3A_277 = vector.shape_cast %get3A_276 : vector<1x16xf32> to vector<16xf32>
          %add3A_278 = arith.addf %scan3A_260, %get3A_277 : vector<16xf32>
          %add3A_279 = arith.constant 1 : i32
          %add3A_280 = arith.addi %add3A_265, %add3A_279 : i32
          %get3A_281 = arith.index_cast %add3A_280 : i32 to index
          %get3A_282 = arith.constant 0 : index
          %get3A_283 = tpu.vector_load %arg7[%get3A_281, %get3A_282] {strides = array<i32>} : memref<800x32xf32, #tpu.memory_space<vmem>>, vector<1x16xf32>,
          %get3A_284 = vector.shape_cast %get3A_283 : vector<1x16xf32> to vector<16xf32>
          %add3A_285 = arith.addf %add3A_271, %get3A_284 : vector<16xf32>
          %add3A_286 = arith.constant 1 : i32
          %add3A_287 = arith.addi %add3A_265, %add3A_286 : i32
          %get3A_288 = arith.index_cast %add3A_287 : i32 to index
          %get3A_289 = arith.constant 16 : index
          %get3A_290 = tpu.vector_load %arg7[%get3A_288, %get3A_289] {strides = array<i32>} : memref<800x32xf32, #tpu.memory_space<vmem>>, vector<1x16xf32>,
          %get3A_291 = vector.shape_cast %get3A_290 : vector<1x16xf32> to vector<16xf32>
          %add3A_292 = arith.addf %add3A_278, %get3A_291 : vector<16xf32>
          %add3A_293 = arith.constant 2 : i32
          %add3A_294 = arith.addi %add3A_265, %add3A_293 : i32
          %get3A_295 = arith.index_cast %add3A_294 : i32 to index
          %get3A_296 = arith.constant 0 : index
          %get3A_297 = tpu.vector_load %arg7[%get3A_295, %get3A_296] {strides = array<i32>} : memref<800x32xf32, #tpu.memory_space<vmem>>, vector<1x16xf32>,
          %get3A_298 = vector.shape_cast %get3A_297 : vector<1x16xf32> to vector<16xf32>
          %add3A_299 = arith.addf %add3A_285, %get3A_298 : vector<16xf32>
          %add3A_300 = arith.constant 2 : i32
          %add3A_301 = arith.addi %add3A_265, %add3A_300 : i32
          %get3A_302 = arith.index_cast %add3A_301 : i32 to index
          %get3A_303 = arith.constant 16 : index
          %get3A_304 = tpu.vector_load %arg7[%get3A_302, %get3A_303] {strides = array<i32>} : memref<800x32xf32, #tpu.memory_space<vmem>>, vector<1x16xf32>,
          %get3A_305 = vector.shape_cast %get3A_304 : vector<1x16xf32> to vector<16xf32>
          %add3A_306 = arith.addf %add3A_292, %get3A_305 : vector<16xf32>
          %add3A_307 = arith.constant 3 : i32
          %add3A_308 = arith.addi %add3A_265, %add3A_307 : i32
          %get3A_309 = arith.index_cast %add3A_308 : i32 to index
          %get3A_310 = arith.constant 0 : index
          %get3A_311 = tpu.vector_load %arg7[%get3A_309, %get3A_310] {strides = array<i32>} : memref<800x32xf32, #tpu.memory_space<vmem>>, vector<1x16xf32>,
          %get3A_312 = vector.shape_cast %get3A_311 : vector<1x16xf32> to vector<16xf32>
          %add3A_313 = arith.addf %add3A_299, %get3A_312 : vector<16xf32>
          %add3A_314 = arith.constant 3 : i32
          %add3A_315 = arith.addi %add3A_265, %add3A_314 : i32
          %get3A_316 = arith.index_cast %add3A_315 : i32 to index
          %get3A_317 = arith.constant 16 : index
          %get3A_318 = tpu.vector_load %arg7[%get3A_316, %get3A_317] {strides = array<i32>} : memref<800x32xf32, #tpu.memory_space<vmem>>, vector<1x16xf32>,
          %get3A_319 = vector.shape_cast %get3A_318 : vector<1x16xf32> to vector<16xf32>
          %add3A_320 = arith.addf %add3A_306, %get3A_319 : vector<16xf32>
          %add3A_321 = arith.constant 4 : i32
          %add3A_322 = arith.addi %add3A_265, %add3A_321 : i32
          %get3A_323 = arith.index_cast %add3A_322 : i32 to index
          %get3A_324 = arith.constant 0 : index
          %get3A_325 = tpu.vector_load %arg7[%get3A_323, %get3A_324] {strides = array<i32>} : memref<800x32xf32, #tpu.memory_space<vmem>>, vector<1x16xf32>,
          %get3A_326 = vector.shape_cast %get3A_325 : vector<1x16xf32> to vector<16xf32>
          %add3A_327 = arith.addf %add3A_313, %get3A_326 : vector<16xf32>
          %add3A_328 = arith.constant 4 : i32
          %add3A_329 = arith.addi %add3A_265, %add3A_328 : i32
          %get3A_330 = arith.index_cast %add3A_329 : i32 to index
          %get3A_331 = arith.constant 16 : index
          %get3A_332 = tpu.vector_load %arg7[%get3A_330, %get3A_331] {strides = array<i32>} : memref<800x32xf32, #tpu.memory_space<vmem>>, vector<1x16xf32>,
          %get3A_333 = vector.shape_cast %get3A_332 : vector<1x16xf32> to vector<16xf32>
          %add3A_334 = arith.addf %add3A_320, %get3A_333 : vector<16xf32>
          %add3A_335 = arith.constant 5 : i32
          %add3A_336 = arith.addi %add3A_265, %add3A_335 : i32
          %get3A_337 = arith.index_cast %add3A_336 : i32 to index
          %get3A_338 = arith.constant 0 : index
          %get3A_339 = tpu.vector_load %arg7[%get3A_337, %get3A_338] {strides = array<i32>} : memref<800x32xf32, #tpu.memory_space<vmem>>, vector<1x16xf32>,
          %get3A_340 = vector.shape_cast %get3A_339 : vector<1x16xf32> to vector<16xf32>
          %add3A_341 = arith.addf %add3A_327, %get3A_340 : vector<16xf32>
          %add3A_342 = arith.constant 5 : i32
          %add3A_343 = arith.addi %add3A_265, %add3A_342 : i32
          %get3A_344 = arith.index_cast %add3A_343 : i32 to index
          %get3A_345 = arith.constant 16 : index
          %get3A_346 = tpu.vector_load %arg7[%get3A_344, %get3A_345] {strides = array<i32>} : memref<800x32xf32, #tpu.memory_space<vmem>>, vector<1x16xf32>,
          %get3A_347 = vector.shape_cast %get3A_346 : vector<1x16xf32> to vector<16xf32>
          %add3A_348 = arith.addf %add3A_334, %get3A_347 : vector<16xf32>
          %add3A_349 = arith.constant 6 : i32
          %add3A_350 = arith.addi %add3A_265, %add3A_349 : i32
          %get3A_351 = arith.index_cast %add3A_350 : i32 to index
          %get3A_352 = arith.constant 0 : index
          %get3A_353 = tpu.vector_load %arg7[%get3A_351, %get3A_352] {strides = array<i32>} : memref<800x32xf32, #tpu.memory_space<vmem>>, vector<1x16xf32>,
          %get3A_354 = vector.shape_cast %get3A_353 : vector<1x16xf32> to vector<16xf32>
          %add3A_355 = arith.addf %add3A_341, %get3A_354 : vector<16xf32>
          %add3A_356 = arith.constant 6 : i32
          %add3A_357 = arith.addi %add3A_265, %add3A_356 : i32
          %get3A_358 = arith.index_cast %add3A_357 : i32 to index
          %get3A_359 = arith.constant 16 : index
          %get3A_360 = tpu.vector_load %arg7[%get3A_358, %get3A_359] {strides = array<i32>} : memref<800x32xf32, #tpu.memory_space<vmem>>, vector<1x16xf32>,
          %get3A_361 = vector.shape_cast %get3A_360 : vector<1x16xf32> to vector<16xf32>
          %add3A_362 = arith.addf %add3A_348, %get3A_361 : vector<16xf32>
          %add3A_363 = arith.constant 7 : i32
          %add3A_364 = arith.addi %add3A_265, %add3A_363 : i32
          %get3A_365 = arith.index_cast %add3A_364 : i32 to index
          %get3A_366 = arith.constant 0 : index
          %get3A_367 = tpu.vector_load %arg7[%get3A_365, %get3A_366] {strides = array<i32>} : memref<800x32xf32, #tpu.memory_space<vmem>>, vector<1x16xf32>,
          %get3A_368 = vector.shape_cast %get3A_367 : vector<1x16xf32> to vector<16xf32>
          %add3A_369 = arith.addf %add3A_355, %get3A_368 : vector<16xf32>
          %add3A_370 = arith.constant 7 : i32
          %add3A_371 = arith.addi %add3A_265, %add3A_370 : i32
          %get3A_372 = arith.index_cast %add3A_371 : i32 to index
          %get3A_373 = arith.constant 16 : index
          %get3A_374 = tpu.vector_load %arg7[%get3A_372, %get3A_373] {strides = array<i32>} : memref<800x32xf32, #tpu.memory_space<vmem>>, vector<1x16xf32>,
          %get3A_375 = vector.shape_cast %get3A_374 : vector<1x16xf32> to vector<16xf32>
          %add3A_376 = arith.addf %add3A_362, %get3A_375 : vector<16xf32>
          scf.yield %add3A_369, %add3A_376 : vector<16xf32>, vector<16xf32>
        }
        %scan3A_248 = arith.constant 25 : i32
        %swap3A = arith.index_cast %scan3A_241 : i32 to index
        %swap3A_249 = arith.constant 0 : index
        %swap3A_250 = tpu.vector_load %arg8[%swap3A, %swap3A_249] {strides = array<i32>} : memref<4x32xf32, #tpu.memory_space<vmem>>, vector<1x16xf32>,
        %swap3A_251 = vector.shape_cast %swap3A_250 : vector<1x16xf32> to vector<16xf32>
        %swap3A_252 = vector.shape_cast %scan3A_247#0 : vector<16xf32> to vector<1x16xf32>
        tpu.vector_store %arg8[%swap3A, %swap3A_249], %swap3A_252 {strides = array<i32>} : memref<4x32xf32, #tpu.memory_space<vmem>>, vector<1x16xf32>,
        %swap3A_253 = arith.index_cast %scan3A_241 : i32 to index
        %swap3A_254 = arith.constant 16 : index
        %swap3A_255 = tpu.vector_load %arg8[%swap3A_253, %swap3A_254] {strides = array<i32>} : memref<4x32xf32, #tpu.memory_space<vmem>>, vector<1x16xf32>,
        %swap3A_256 = vector.shape_cast %swap3A_255 : vector<1x16xf32> to vector<16xf32>
        %swap3A_257 = vector.shape_cast %scan3A_247#1 : vector<16xf32> to vector<1x16xf32>
        tpu.vector_store %arg8[%swap3A_253, %swap3A_254], %swap3A_257 {strides = array<i32>} : memref<4x32xf32, #tpu.memory_space<vmem>>, vector<1x16xf32>,
      }
      %scan3A_235 = arith.constant 4 : i32
      %mul3A_236 = arith.constant 128 : i32
      %mul3A_237 = arith.muli %add3A, %mul3A_236 : i32
      %mul3A_238 = arith.constant 4 : i32
      %mul3A_239 = arith.muli %add3A_229, %mul3A_238 : i32
      %add3A_240 = arith.addi %mul3A_237, %mul3A_239 : i32
      "tpu.region"() ({
        %run_scoped3A = tpu.sem_alloc : memref<!tpu.dma_semaphore, #tpu.memory_space<semaphore_mem>>
        %dma_start3A_241 = arith.constant 0 : i32
        %dma_start3A_242 = tpu.memref_slice %arg4[%add3A_240, %dma_start3A_241] : memref<4096x32xf32, #tpu.memory_space<hbm>> -> memref<4x32xf32, #tpu.memory_space<hbm>>
        %dma_start3A_243 = arith.constant 0 : i32
        %dma_start3A_244 = tpu.memref_slice %arg4[%add3A_240, %dma_start3A_243] : memref<4096x32xf32, #tpu.memory_space<hbm>> -> memref<4x32xf32, #tpu.memory_space<hbm>>
        tpu.enqueue_dma source(%arg8 : memref<4x32xf32, #tpu.memory_space<vmem>>) target(%dma_start3A_244 : memref<4x32xf32, #tpu.memory_space<hbm>>) target_semaphore(%run_scoped3A : memref<!tpu.dma_semaphore, #tpu.memory_space<semaphore_mem>>)
        %dma_wait3A_245 = arith.constant 0 : i32
        %dma_wait3A_246 = tpu.memref_slice %arg4[%add3A_240, %dma_wait3A_245] : memref<4096x32xf32, #tpu.memory_space<hbm>> -> memref<4x32xf32, #tpu.memory_space<hbm>>
        %dma_wait3A_247 = arith.constant 0 : i32
        %dma_wait3A_248 = tpu.memref_slice %arg4[%add3A_240, %dma_wait3A_247] : memref<4096x32xf32, #tpu.memory_space<hbm>> -> memref<4x32xf32, #tpu.memory_space<hbm>>
        tpu.wait_dma2 semaphore(%run_scoped3A : memref<!tpu.dma_semaphore, #tpu.memory_space<semaphore_mem>>) src(%arg8 : memref<4x32xf32, #tpu.memory_space<vmem>>) dst(%dma_wait3A_248 : memref<4x32xf32, #tpu.memory_space<hbm>>)
        tpu.yield
      }) : () -> ()
    }
    %scan3A_93 = arith.constant 16 : i32
    return
  }
}

module attributes {stable_mosaic.version = 14 : i64} {
  func.func @body(%arg0: i32, %arg1: memref<512x32xf32, #tpu.memory_space<vmem>>, %arg2: memref<512x1xf32, #tpu.memory_space<vmem>>, %arg3: memref<32x5xf32, #tpu.memory_space<vmem>>, %arg4: memref<1x5xf32, #tpu.memory_space<vmem>>, %arg5: memref<512x5xf32, #tpu.memory_space<vmem>>) attributes {dimension_semantics = [#tpu.dimension_semantics<arbitrary>], iteration_bounds = array<i64: 8>, scalar_prefetch = 0 : i64, scratch_operands = 0 : i64, tpu.core_type = #tpu.core_type<tc>, window_params = [{transform_indices = @transform_0, window_bounds = array<i64: 512, 32>}, {transform_indices = @transform_1, window_bounds = array<i64: 512, 1>}, {pipeline_mode = #tpu.pipeline_mode<synchronous>, transform_indices = @transform_2, window_bounds = array<i64: 32, 5>}, {pipeline_mode = #tpu.pipeline_mode<synchronous>, transform_indices = @transform_3, window_bounds = array<i64: 1, 5>}, {transform_indices = @transform_4, window_bounds = array<i64: 512, 5>}]} {
    %get3A = arith.constant 0 : index
    %get3A_0 = arith.constant 0 : index
    %get3A_1 = vector.load %arg1[%get3A, %get3A_0] : memref<512x32xf32, #tpu.memory_space<vmem>>, vector<512x32xf32>
    %get3A_2 = arith.constant 0 : index
    %get3A_3 = arith.constant 0 : index
    %get3A_4 = vector.load %arg2[%get3A_2, %get3A_3] : memref<512x1xf32, #tpu.memory_space<vmem>>, vector<512x1xf32>
    %mul3A = vector.broadcast %get3A_4 : vector<512x1xf32> to vector<512x32xf32>
    %mul3A_5 = arith.mulf %get3A_1, %mul3A : vector<512x32xf32>
    %get3A_6 = arith.constant 0 : index
    %get3A_7 = arith.constant 0 : index
    %get3A_8 = vector.load %arg3[%get3A_6, %get3A_7] : memref<32x5xf32, #tpu.memory_space<vmem>>, vector<32x5xf32>
    %dot_general3A = arith.constant dense<0.000000e+00> : vector<512x5xf32>
    %dot_general3A_9 = tpu.matmul %mul3A_5, %get3A_8, %dot_general3A {dimension_numbers = #tpu.dot_dimension_numbers<[1], [0], [0], [1], [0, 0, 1, 1], [], []>, transpose_lhs_hint = false} : vector<512x32xf32>, vector<32x5xf32>, vector<512x5xf32> -> vector<512x5xf32>
    %get3A_10 = arith.constant 0 : index
    %get3A_11 = arith.constant 0 : index
    %get3A_12 = vector.load %arg4[%get3A_10, %get3A_11] : memref<1x5xf32, #tpu.memory_space<vmem>>, vector<1x5xf32>
    %add3A = vector.broadcast %get3A_12 : vector<1x5xf32> to vector<512x5xf32>
    %add3A_13 = arith.addf %dot_general3A_9, %add3A : vector<512x5xf32>
    %swap3A = arith.constant 0 : index
    %swap3A_14 = arith.constant 0 : index
    %swap3A_15 = vector.load %arg5[%swap3A, %swap3A_14] : memref<512x5xf32, #tpu.memory_space<vmem>>, vector<512x5xf32>
    tpu.vector_store %arg5[%swap3A, %swap3A_14], %add3A_13 {strides = array<i32>} : memref<512x5xf32, #tpu.memory_space<vmem>>, vector<512x5xf32>,
    return
  }
  func.func @transform_0(%arg0: i32) -> (i32, i32) {
    %c0_i32 = arith.constant 0 : i32
    %c0_i32_0 = arith.constant 0 : i32
    return %arg0, %c0_i32 : i32, i32
  }
  func.func @transform_1(%arg0: i32) -> (i32, i32) {
    %c0_i32 = arith.constant 0 : i32
    %c0_i32_0 = arith.constant 0 : i32
    return %arg0, %c0_i32 : i32, i32
  }
  func.func @transform_2(%arg0: i32) -> (i32, i32) {
    %c0_i32 = arith.constant 0 : i32
    %c0_i32_0 = arith.constant 0 : i32
    %c0_i32_1 = arith.constant 0 : i32
    return %c0_i32, %c0_i32_0 : i32, i32
  }
  func.func @transform_3(%arg0: i32) -> (i32, i32) {
    %c0_i32 = arith.constant 0 : i32
    %c0_i32_0 = arith.constant 0 : i32
    %c0_i32_1 = arith.constant 0 : i32
    return %c0_i32, %c0_i32_0 : i32, i32
  }
  func.func @transform_4(%arg0: i32) -> (i32, i32) {
    %c0_i32 = arith.constant 0 : i32
    %c0_i32_0 = arith.constant 0 : i32
    return %arg0, %c0_i32 : i32, i32
  }
}

</mosaic_0001>

<sc_bundles>
// kernel: kernel.4.cloned.1.call-start
scs
__scs_entry_jumppad:
0x0: {  	(pc) =	sbr.rel $0x88, $3  }
0x1: {  	(tag) =	ssettag $0x0;
	lr =	simm.s32 $0x1  }
0x2: {  	[smem:$0x3F9C] =	sst lr;
	_ =	strace $0xD0000000  }
0x3: {  	_ = 	snop  }
0x4: {  	_ = 	snop  }
0x5: {  	_ = 	snop  }
0x6: {  	_ = 	snop  }
0x7: {  	_ = 	snop  }
__scs_overlays_trampoline_lowered:
0x8: {  	[smem:$0x3FAB] =	sst s0  }
0x9: {  	[smem:$0x3FAC] =	sst s1  }
0xa: {  	[smem:$0x3FAD] =	sst s2  }
0xb: {  	[smem:$0x3FAE] =	sst s3  }
0xc: {  	[smem:$0x3FAF] =	sst s4  }
0xd: {  	[smem:$0x3FB0] =	sst s5  }
0xe: {  	[smem:$0x3FB1] =	sst s6  }
0xf: {  	[smem:$0x3FB2] =	sst s7  }
0x10: {  	[smem:$0x3FB3] =	sst s8  }
0x11: {  	[smem:$0x3FB4] =	sst s9;
	s0 =	simm.s32 @!p0 $0x0  }
0x12: {  	s1 =	sld [smem:$0x3F9A];
	s0 =	simm.s32 @p0 $0x1  }
0x13: {  	[smem:$0x3FB5] =	sst s0;
	s0 =	simm.s32 @!p1 $0x0  }
0x14: {  	s2 =	sld [smem:$0x3F99];
	s0 =	simm.s32 @p1 $0x1  }
0x15: {  	[smem:$0x3FB6] =	sst s0;
	s0 =	simm.s32 @!p2 $0x0  }
0x16: {  	s3 =	sld [smem:$0x3FDB];
	s0 =	simm.s32 @p2 $0x1  }
0x17: {  	s4 =	simm.s32 $0x1BF5;
	[smem:$0x3FB8] =	sst s0  }
0x18: {  	s0 =	sld [smem:$0x3F9B];
	_ =	swait.ge [sflag:s4], $0x0  }
0x19: {  	s7 =	sld [smem:$0x3F9C]  }
0x1a: {  	s8 =	sadd.s32 $0xFFFFE003, lr  }
0x1b: {  	s9 =	sadd.s32 $0xFFFFFEF7, lr;
	s5 =	simm.s32 $0xFFFFFFFF;
	p2 =	slt.u32 s8, $0xFFFFF086  }
0x1c: {  	p1 =	slt.u32 s9, $0xF7A;
	s5 =	simm.s32 @!p2 $0x0  }
0x1d: {  	s5 =	simm.s32 @p1 $0x1;
	p0 =	seq.s32 s7, s2  }
0x1e: {  	s7 =	smul.u32 @!p0 $0xF7A, s2;
	p2 =	seq.s32 @!p0 s5, $0x0  }
0x1f: {  	s9 =	smul.u32 $0xF7A, s1;
	s8 =	simm.s32 @!p0 $0x1BF5;
	p2 =	por !p2, p0  }
0x20: {  	[sflag:s8] =	ssyncset.s32 @!p0 $0xFFFFF086;
	s6 =	sadd.s32 @!p0 s3, s7;
	s7 =	simm.s32 @!p0 $0x108  }
0x21: {  	s3 =	sadd.s32 s3, s9;
	s6 =	sadd.s32 @!p0 $0x88, s6;
	s7 =	simm.s32 @p2 $0x1082  }
0x22: {  	[simem:s7], [sflag:s8] =	dma.local @!p0 [hbm:s6], $0xF7A  }
0x23: {  	s9 =	sor.u32 $0xD0000000, s2;
	s6 =	simm.s32 $0x108;
	_ =	swait.ge @!p0 [sflag:s8], $0x0  }
0x24: {  	s3 =	sadd.s32 $0x88, s3;
	s6 =	simm.s32 @!p1 $0x1082;
	[sflag:s4] =	ssyncset.s32 $0xFFFFF086  }
0x25: {  	[simem:s6], [sflag:s4] =	dma.local [hbm:s3], $0xF7A  }
0x26: {  	[smem:$0x3F9C] =	sst s1;
	(tag) =	ssettag s2;
	_ =	strace s9  }
0x27: {  	s1 =	sld [smem:$0x3FAC]  }
0x28: {  	s2 =	sld [smem:$0x3FAD]  }
0x29: {  	s4 =	sld [smem:$0x3FAF]  }
0x2a: {  	p0 =	seq.s32 s5, $0x0;
	s5 =	sld [smem:$0x3FB0]  }
0x2b: {  	s6 =	sld [smem:$0x3FB1]  }
0x2c: {  	s7 =	sld [smem:$0x3FB2]  }
0x2d: {  	s3 =	simm.s32 $0x108;
	s8 =	sld [smem:$0x3FB3]  }
0x2e: {  	s3 =	simm.s32 @!p0 $0x1082;
	s9 =	sld [smem:$0x3FB4]  }
0x2f: {  	lr =	sadd.s32 s0, s3;
	s0 =	sld [smem:$0x3FAB]  }
0x30: {  	s3 =	sld [smem:$0x3FAE]  }
0x31: {  	[smem:$0x3FB7] =	sst s10  }
0x32: {  	s10 =	sld [smem:$0x3FB5];
	_ =	sdelay $0x3  }
0x33: {  	p0 =	seq.s32 s10, $0x1;
	s10 =	sld [smem:$0x3FB7];
	_ =	sdelay $0x3  }
0x34: {  	[smem:$0x3FB7] =	sst s10  }
0x35: {  	s10 =	sld [smem:$0x3FB6];
	_ =	sdelay $0x3  }
0x36: {  	p1 =	seq.s32 s10, $0x1;
	s10 =	sld [smem:$0x3FB7];
	_ =	sdelay $0x3  }
0x37: {  	[smem:$0x3FB7] =	sst s10  }
0x38: {  	s10 =	sld [smem:$0x3FB8]  }
0x39: {  	_ = 	snop;
	(pc) =	sbr.ind lr, $3  }
0x3a: {  	_ = 	snop  }
0x3b: {  	_ = 	snop  }
0x3c: {  	p2 =	seq.s32 s10, $0x1;
	s10 =	sld [smem:$0x3FB7]  }
0x3d: {  	_ =	shalt  }
0x3e: {  	_ =	shalt  }
0x3f: {  	_ =	shalt  }
0x40: {  	_ =	shalt  }
0x41: {  	_ =	shalt  }
0x42: {  	_ =	shalt  }
0x43: {  	_ =	shalt  }
0x44: {  	_ =	shalt  }
0x45: {  	_ =	shalt  }
0x46: {  	_ =	shalt  }
0x47: {  	_ =	shalt  }
0x48: {  	_ =	shalt  }
0x49: {  	_ =	shalt  }
0x4a: {  	_ =	shalt  }
0x4b: {  	_ =	shalt  }
0x4c: {  	_ =	shalt  }
0x4d: {  	_ =	shalt  }
0x4e: {  	_ =	shalt  }
0x4f: {  	_ =	shalt  }
0x50: {  	_ =	shalt  }
0x51: {  	_ =	shalt  }
0x52: {  	_ =	shalt  }
0x53: {  	_ =	shalt  }
0x54: {  	_ =	shalt  }
0x55: {  	_ =	shalt  }
0x56: {  	_ =	shalt  }
0x57: {  	_ =	shalt  }
0x58: {  	_ =	shalt  }
0x59: {  	_ =	shalt  }
0x5a: {  	_ =	shalt  }
0x5b: {  	_ =	shalt  }
0x5c: {  	_ =	shalt  }
0x5d: {  	_ =	shalt  }
0x5e: {  	_ =	shalt  }
0x5f: {  	_ =	shalt  }
0x60: {  	_ =	shalt  }
0x61: {  	_ =	shalt  }
0x62: {  	_ =	shalt  }
0x63: {  	_ =	shalt  }
0x64: {  	_ =	shalt  }
0x65: {  	_ =	shalt  }
0x66: {  	_ =	shalt  }
0x67: {  	_ =	shalt  }
0x68: {  	_ =	shalt  }
0x69: {  	_ =	shalt  }
0x6a: {  	_ =	shalt  }
0x6b: {  	_ =	shalt  }
0x6c: {  	_ =	shalt  }
0x6d: {  	_ =	shalt  }
0x6e: {  	_ =	shalt  }
0x6f: {  	_ =	shalt  }
0x70: {  	_ =	shalt  }
0x71: {  	_ =	shalt  }
0x72: {  	_ =	shalt  }
0x73: {  	_ =	shalt  }
0x74: {  	_ =	shalt  }
0x75: {  	_ =	shalt  }
0x76: {  	_ =	shalt  }
0x77: {  	_ =	shalt  }
0x78: {  	_ =	shalt  }
0x79: {  	_ =	shalt  }
0x7a: {  	_ =	shalt  }
0x7b: {  	_ =	shalt  }
0x7c: {  	_ =	shalt  }
0x7d: {  	_ =	shalt  }
0x7e: {  	_ =	shalt  }
0x7f: {  	_ =	shalt  }
0x80: {  	_ =	shalt  }
0x81: {  	_ =	shalt  }
0x82: {  	_ =	shalt  }
0x83: {  	_ =	shalt  }
0x84: {  	_ =	shalt  }
0x85: {  	_ =	shalt  }
0x86: {  	_ =	shalt  }
0x87: {  	_ =	shalt  }
.Lfunc_end0:
.L_simem_size_0:
called_computation_lowered:
.L_overlay_start_0:
0x88: {  	s2 =	sld [smem:$0x3FD9]  }
0x89: {  	s3 =	sld [smem:$0x3FFE];
	_ =	sdelay $0x1  }
0x8a: {  	s1 =	srdreg.scid  }
0x8b: {  	s0 =	sand.u32 $0x1, s1  }
0x8c: {  	s16 =	sshll.u32 s0, $0xA;
	s2 =	sadd.s32 s3, s2  }
0x8d: {  	s2 =	sadd.s32 s2, s16  }
0x8e: {  	[smem:$0x3FC3] =	sst s2  }
0x8f: {  	_ = 	snop  }
0x90: {  	(tm) =	ssettm $0x1  }
0x91: {  	s17 =	sld [smem:$0x3FFB];
	_ =	sdelay $0x3  }
0x92: {  	_ =	strace s17  }
0x93: {  	s2 =	sld [smem:$0x3FFC];
	_ =	sdelay $0x3  }
0x94: {  	_ =	strace s2  }
0x95: {  	s2 =	sld [smem:$0x3FFD];
	_ =	sdelay $0x3  }
0x96: {  	_ =	strace s2  }
0x97: {  	_ =	strace $0x8FFFFFFF  }
0x98: {  	s18 =	sld [smem:$0x3FDB];
	_ =	sdelay $0x1  }
0x99: {  	s19 =	simm.s32 $_scs_section_size  }
0x9a: {  	s4 =	simm.s32 $_size__tile_overlayer_lowered;
	s5 =	simm.s32 $_tile_overlayer_lowered  }
0x9b: {  	s22 =	simm.s32 $0x1BFF;
	s21 =	sshll.u32 s5, $0x1;
	s2 =	sadd.s32 s19, s18  }
0x9c: {  	s6 =	simm.s32 $0x0;
	s20 =	sshll.u32 s4, $0x1;
	s4 =	sadd.s32 s21, s2  }
0x9d: {  	[timem:s6], [sflag:s22] =	dma.local [hbm:s4], s20  }
0x9e: {  	_ =	swait.ge [sflag:s22], s20  }
0x9f: {  	s3 =	ssub.s32 $0x0, s20;
	[sflag:s22] =	ssyncset.done $0x0  }
0xa0: {  	[sflag:s22] =	ssyncadd.s32 s3;
	_ =	sdelay $0x1  }
0xa1: {  	s23 =	simm.s32 $0x1B8B  }
0xa2: {  	_ =	swait.ge [sflag:s23], $0x1  }
0xa3: {  	[sflag:s23] =	ssyncset.done $0x0  }
0xa4: {  	s25 =	simm.s32 $0x1B8E;
	s24 =	sld [smem:$0x3FFE];
	[sflag:s23] =	ssyncadd.s32 $0xFFFFFFFF  }
0xa5: {  	s26 =	simm.s32 $execute0_lowered;
	[smem:$0x3FD2] =	sst s25  }
0xa6: {  	s4 =	sshll.u32 s26, $0x1;
	_ =	strace $0x80000046;
	[dreg:$0x1] =	wrdreg $0xFFFFFFFF  }
0xa7: {  	s28 =	simm.s32 $_size_execute0_lowered;
	s2 =	sadd.s32 s2, s4;
	[dreg:$0x0] =	wrdreg $0x0  }
0xa8: {  	s4 =	sshll.u32 s28, $0x1;
	[dreg:$0x2] =	wrdreg s2  }
0xa9: {  	[dreg:$0x3] =	wrdreg s4  }
0xaa: {  	[dreg:$0x4] =	wrdreg $0xC0  }
0xab: {  	_ =	task [dreg:s6], $0x5FFFF  }
0xac: {  	[dreg:$0x1] =	wrdreg $0xFFFFFFFF  }
0xad: {  	[dreg:$0x0] =	wrdreg $0x60  }
0xae: {  	[dreg:$0x2] =	wrdreg s24  }
0xaf: {  	[dreg:$0x3] =	wrdreg $0x9  }
0xb0: {  	_ =	task.clear_ibuf [dreg:s6], $0x4FFFF;
	_ =	strace $0x90000046  }
0xb1: {  	s29 =	simm.s32 $0x9;
	_ =	strace $0x80000048  }
0xb2: {  	_ =	swait.ge [sflag:s29], $0x1  }
0xb3: {  	[sflag:s29] =	ssyncadd.s32 $0xFFFFFFFF  }
0xb4: {  	_ =	strace $0x90000048  }
0xb5: {  	_ =	sfence  }
0xb6: {  	s30 =	sld [smem:$0x0];
	_ =	sdelay $0x2  }
0xb7: {  	s31 =	sshll.u32 s1, $0xD;
	s1 =	sshrl.u32 s1, $0x2  }
0xb8: {  	s3 =	sand.u32 $0x4000, s31;
	s1 =	sadd.s32 s1, s30  }
0xb9: {  	s0 =	sor.u32 s3, s0;
	s1 =	sshll.u32 s1, $0x11  }
0xba: {  	s0 =	sor.u32 s1, s0  }
0xbb: {  	s0 =	sadd.s32 $0x8F2B, s0  }
0xbc: {  	[sflag:s0] =	ssyncadd.remote.s32 $0x1  }
0xbd: {  	_ =	sfence.sel $0xFFFF  }
0xbe: {  	[dreg:$0x0] =	wrdreg $0xFFFFFFFF;
	(pc) =	sbr.abs _section_cstart, $3  }
0xbf: {  	[dreg:$0x1] =	wrdreg $0xFFFFFFFF  }
0xc0: {  	_ =	task.clear_ibuf [dreg:s6], $0x2FFFF;
	_ =	strace $0x9FFFFFFF  }
0xc1: {  	(tm) =	ssettm $0x7FFFFFFF  }
tec
execute0_lowered:
.L_overlay_start_1:
0x0: {  	(tag) =	ssettag $0x1  }
0x1: {  	s0 =	rddreg [dreg:$0x0]  }
0x2: {  	s1 =	srdreg.scid;
	s3 =	stileid.u32;
	s2 =	simm.s32 $0x0  }
0x3: {  	s7 =	simm.s32 $0x1;
	s8 =	simm.s32 $0x64;
	s19 =	simm.s32 $0xA680  }
0x4: {  	s20 =	simm.s32 $0x270;
	s21 =	simm.s32 $0xB300;
	s22 =	simm.s32 $0x2D8  }
0x5: {  	s23 =	simm.s32 $0xBF80;
	s24 =	simm.s32 $0xCC00;
	s25 =	simm.s32 $0xD880  }
0x6: {  	s26 =	simm.s32 $0xE500;
	s28 =	simm.s32 $0xF180;
	s29 =	simm.s32 $0xFE00  }
0x7: {  	s30 =	simm.s32 $0x10A80;
	s31 =	simm.s32 $0x11700;
	s9 =	simm.s32 $0x13000  }
0x8: {  	s10 =	simm.s32 $0x4;
	s1 =	sand.u32 $0x1, s1;
	s3 =	sshll.u32 s3, $0x1  }
0x9: {  	s11 =	simm.s32 $0x3;
	s12 =	simm.s32 $0x0;
	s4 =	sor.u32 s1, s3  }
0xa: {  	[smem:$0x7FF] =	sst s2;
	s1 =	ssub.s32 $0x2, s1;
	s5 =	smul.u32 $0xD00, s4  }
0xb: {  	_ =	strace $0x80000047;
	s3 =	sadd.s32 $0xF43000, s0;
	s6 =	sshrl.u32 s1, $0x1  }
0xc: {  	s4 =	sshll.u32 s4, $0x9;
	s1 =	ssub.s32 s1, s6;
	s5 =	sadd.s32 s5, s0  }
0xd: {  	s0 =	sadd.s32 s4, s0;
	s6 =	smax.u32 s1, $0x1;
	s1 =	simm.s32 $0x2  }
0xe: {  	s4 =	sadd.s32 $0xC00, s5;
	s5 =	sadd.s32 $0x1AC00, s0;
	s0 =	simm.s32 $0x12380  }
.LBB2_1:
0xf: {  	[tilespmem:s2], [sflag:$0x1] =	stream.linear.gather [hbm4b:s4+s2], $0x6800, $0x38;
	[tilespmem:$0x13080] =	vst v63  }
0x10: {  	_ =	swait.ge [sflag:s7], $0x6800  }
0x11: {  	[sflag:s7] =	ssyncset.done $0x0  }
0x12: {  	s13 =	simm.s32 $0x6800;
	[sflag:s7] =	ssyncadd.s32 $0xFFFF9800  }
0x13: {  	[tilespmem:s13], [sflag:$0x2] =	stream.indirect.gather [hbm4b:s3+s8], $0x20, s2, s8, $0xb8;
	[tilespmem:$0x13080] =	vst v63  }
0x14: {  	s16 =	simm.s32 $0x68;
	s14 =	simm.s32 $0x7480  }
0x15: {  	[tilespmem:s14], [sflag:$0x2] =	stream.indirect.gather [hbm4b:s3+s8], $0x20, s16, s8, $0xb8;
	[tilespmem:$0x13080] =	vst v63  }
0x16: {  	s17 =	simm.s32 $0xD0;
	s18 =	simm.s32 $0x8100  }
0x17: {  	[tilespmem:s18], [sflag:$0x2] =	stream.indirect.gather [hbm4b:s3+s8], $0x20, s17, s8, $0xb8;
	[tilespmem:$0x13080] =	vst v63  }
0x18: {  	s15 =	simm.s32 $0x8D80;
	s14 =	simm.s32 $0x138  }
0x19: {  	[tilespmem:s15], [sflag:$0x2] =	stream.indirect.gather [hbm4b:s3+s8], $0x20, s14, s8, $0xb8;
	[tilespmem:$0x13080] =	vst v63  }
0x1a: {  	s16 =	simm.s32 $0x1A0;
	s17 =	simm.s32 $0x9A00  }
0x1b: {  	[tilespmem:s17], [sflag:$0x2] =	stream.indirect.gather [hbm4b:s3+s8], $0x20, s16, s8, $0xb8;
	[tilespmem:$0x13080] =	vst v63  }
0x1c: {  	s18 =	simm.s32 $0x208  }
0x1d: {  	[tilespmem:s19], [sflag:$0x2] =	stream.indirect.gather [hbm4b:s3+s8], $0x20, s18, s8, $0xb8;
	[tilespmem:$0x13080] =	vst v63  }
0x1e: {  	_ = 	snop  }
0x1f: {  	[tilespmem:s21], [sflag:$0x2] =	stream.indirect.gather [hbm4b:s3+s8], $0x20, s20, s8, $0xb8;
	[tilespmem:$0x13080] =	vst v63  }
0x20: {  	s13 =	simm.s32 $0x0  }
0x21: {  	[tilespmem:s23], [sflag:$0x2] =	stream.indirect.gather [hbm4b:s3+s8], $0x20, s22, s8, $0xb8;
	[tilespmem:$0x13080] =	vst v63  }
.LBB2_2:
0x22: {  	s14 =	sshllo.u32 s13, $0x1  }
0x23: {  	s15 =	smul.u32 $0xD00, s14;
	_ =	sdelay $0x1  }
0x24: {  	s15 =	sshra.s32 s15, $0x2  }
0x25: {  	[tilespmem:s24], [sflag:$0x3] =	stream.indirect.gather [hbm4b:s3+s8], $0x20, s15, s8, $0xb8;
	[tilespmem:$0x13080] =	vst v63  }
0x26: {  	s16 =	sadd.s32 $0x68, s15  }
0x27: {  	[tilespmem:s25], [sflag:$0x3] =	stream.indirect.gather [hbm4b:s3+s8], $0x20, s16, s8, $0xb8;
	[tilespmem:$0x13080] =	vst v63  }
0x28: {  	s18 =	sadd.s32 $0xD0, s15  }
0x29: {  	[tilespmem:s26], [sflag:$0x3] =	stream.indirect.gather [hbm4b:s3+s8], $0x20, s18, s8, $0xb8;
	[tilespmem:$0x13080] =	vst v63  }
0x2a: {  	s17 =	sadd.s32 $0x138, s15  }
0x2b: {  	[tilespmem:s28], [sflag:$0x3] =	stream.indirect.gather [hbm4b:s3+s8], $0x20, s17, s8, $0xb8;
	[tilespmem:$0x13080] =	vst v63  }
0x2c: {  	s18 =	sadd.s32 $0x1A0, s15  }
0x2d: {  	[tilespmem:s29], [sflag:$0x3] =	stream.indirect.gather [hbm4b:s3+s8], $0x20, s18, s8, $0xb8;
	[tilespmem:$0x13080] =	vst v63  }
0x2e: {  	s17 =	sadd.s32 $0x208, s15  }
0x2f: {  	[tilespmem:s30], [sflag:$0x3] =	stream.indirect.gather [hbm4b:s3+s8], $0x20, s17, s8, $0xb8;
	[tilespmem:$0x13080] =	vst v63  }
0x30: {  	s18 =	sadd.s32 $0x270, s15  }
0x31: {  	[tilespmem:s31], [sflag:$0x3] =	stream.indirect.gather [hbm4b:s3+s8], $0x20, s18, s8, $0xb8;
	[tilespmem:$0x13080] =	vst v63  }
0x32: {  	s15 =	sadd.s32 $0x2D8, s15  }
0x33: {  	[tilespmem:s0], [sflag:$0x3] =	stream.indirect.gather [hbm4b:s3+s8], $0x20, s15, s8, $0xb8;
	[tilespmem:$0x13080] =	vst v63  }
0x34: {  	_ =	swait.ge [sflag:s1], $0x6400  }
0x35: {  	[sflag:s1] =	ssyncset.done $0x0  }
0x36: {  	s16 =	simm.s32 $0x6880;
	s15 =	simm.s32 $0x0;
	[sflag:s1] =	ssyncadd.s32 $0xFFFF9C00  }
.LBB2_3:
0x37: {  	v0 =	vmov s16;
	_ =	sdelay $0x3  }
0x38: {  	s18 =	simm.s32 $0x0  }
0x39: {  	v1 =	vld.idx.msk [tilespmem:v0+s18+$0xFFFFFF80 ss:$0x1], $0xffff  }
0x3a: {  	v2 =	vld.idx.msk [tilespmem:v0+s18+$0xFFFFFF90 ss:$0x1], $0xffff  }
0x3b: {  	v3 =	vld.idx.msk [tilespmem:v0+s18+$0xFFFFFFA0 ss:$0x1], $0xffff  }
0x3c: {  	v4 =	vld.idx.msk [tilespmem:v0+s18+$0xFFFFFFB0 ss:$0x1], $0xffff  }
0x3d: {  	v5 =	vld.idx.msk [tilespmem:v0+s18+$0xFFFFFFC0 ss:$0x1], $0xffff  }
0x3e: {  	v6 =	vld.idx.msk [tilespmem:v0+s18+$0xFFFFFFD0 ss:$0x1], $0xffff  }
0x3f: {  	v8 =	vimm.f32 $0.0e+00;
	v7 =	vld.idx.msk [tilespmem:v0+s18+$0xFFFFFFE0 ss:$0x1], $0xffff  }
0x40: {  	v9 =	vld.idx.msk [tilespmem:v0+s18+$0xFFFFFFF0 ss:$0x1], $0xffff;
	v1 =	vadd.f32 v1, v8;
	v2 =	vadd.f32 v2, v8  }
0x41: {  	v10 =	vld.idx.msk [tilespmem:v0+s18+$0x10 ss:$0x1], $0xffff  }
0x42: {  	v8 =	vld.idx.msk [tilespmem:v0+s18+$0x0 ss:$0x1], $0xffff;
	v3 =	vadd.f32 v3, v1;
	v2 =	vadd.f32 v4, v2  }
0x43: {  	v1 =	vld.idx.msk [tilespmem:v0+s18+$0x20 ss:$0x1], $0xffff  }
0x44: {  	v4 =	vld.idx.msk [tilespmem:v0+s18+$0x30 ss:$0x1], $0xffff;
	v3 =	vadd.f32 v5, v3;
	v6 =	vadd.f32 v6, v2  }
0x45: {  	v2 =	vld.idx.msk [tilespmem:v0+s18+$0x40 ss:$0x1], $0xffff  }
0x46: {  	v5 =	vld.idx.msk [tilespmem:v0+s18+$0x50 ss:$0x1], $0xffff;
	v7 =	vadd.f32 v7, v3;
	v9 =	vadd.f32 v9, v6  }
0x47: {  	v3 =	vld.idx.msk [tilespmem:v0+s18+$0x60 ss:$0x1], $0xffff  }
0x48: {  	s17 =	simm.s32 $0x100;
	v6 =	vld.idx.msk [tilespmem:v0+s18+$0x70 ss:$0x1], $0xffff;
	v8 =	vadd.f32 v8, v7;
	v9 =	vadd.f32 v10, v9  }
0x49: {  	s18 =	simm.s32 $0x800;
	v7 =	vld.idx.msk [tilespmem:v0+s17+$0xFFFFFF80 ss:$0x1], $0xffff  }
.LBB2_4:
0x4a: {  	p0 =	sne.s32 s18, $0x6000;
	v10 =	vld.idx.msk [tilespmem:v0+s17+$0xFFFFFF90 ss:$0x1], $0xffff;
	v1 =	vadd.f32 v1, v8;
	v4 =	vadd.f32 v4, v9  }
0x4b: {  	v8 =	vld.idx.msk [tilespmem:v0+s17+$0xFFFFFFA0 ss:$0x1], $0xffff  }
0x4c: {  	v9 =	vld.idx.msk [tilespmem:v0+s17+$0xFFFFFFB0 ss:$0x1], $0xffff;
	v1 =	vadd.f32 v2, v1;
	v2 =	vadd.f32 v5, v4  }
0x4d: {  	v4 =	vld.idx.msk [tilespmem:v0+s17+$0xFFFFFFC0 ss:$0x1], $0xffff  }
0x4e: {  	v5 =	vld.idx.msk [tilespmem:v0+s17+$0xFFFFFFD0 ss:$0x1], $0xffff;
	v1 =	vadd.f32 v3, v1;
	v2 =	vadd.f32 v6, v2  }
0x4f: {  	v3 =	vld.idx.msk [tilespmem:v0+s17+$0xFFFFFFE0 ss:$0x1], $0xffff  }
0x50: {  	v1 =	vadd.f32 v7, v1;
	v2 =	vadd.f32 v10, v2;
	v6 =	vld.idx.msk [tilespmem:v0+s17+$0xFFFFFFF0 ss:$0x1], $0xffff  }
0x51: {  	v7 =	vld.idx.msk [tilespmem:v0+s17+$0x0 ss:$0x1], $0xffff  }
0x52: {  	v8 =	vadd.f32 v8, v1;
	v2 =	vadd.f32 v9, v2;
	v9 =	vld.idx.msk [tilespmem:v0+s17+$0x10 ss:$0x1], $0xffff  }
0x53: {  	v1 =	vld.idx.msk [tilespmem:v0+s17+$0x20 ss:$0x1], $0xffff  }
0x54: {  	v8 =	vadd.f32 v4, v8;
	v5 =	vadd.f32 v5, v2;
	v4 =	vld.idx.msk [tilespmem:v0+s17+$0x30 ss:$0x1], $0xffff  }
.Ltmp0:
0x55: {  	v2 =	vld.idx.msk [tilespmem:v0+s17+$0x40 ss:$0x1], $0xffff;
	(pc) =	sbr.rel @p0 .LBB2_4-.Ltmp0, $4  }
0x56: {  	v8 =	vadd.f32 v3, v8;
	v6 =	vadd.f32 v6, v5;
	v5 =	vld.idx.msk [tilespmem:v0+s17+$0x50 ss:$0x1], $0xffff  }
0x57: {  	v3 =	vld.idx.msk [tilespmem:v0+s17+$0x60 ss:$0x1], $0xffff  }
0x58: {  	v8 =	vadd.f32 v7, v8;
	v9 =	vadd.f32 v9, v6;
	v6 =	vld.idx.msk [tilespmem:v0+s17+$0x70 ss:$0x1], $0xffff;
	s17 =	sshra.s32 s18, $0x2  }
0x59: {  	s18 =	sadd.s32 $0x400, s18;
	v7 =	vld.idx.msk [tilespmem:v0+s17+$0xFFFFFF80 ss:$0x1], $0xffff  }
0x5a: {  	_ =	sdelay $0x1  }
0x5b: {  	v1 =	vadd.f32 v1, v8  }
0x5c: {  	v4 =	vadd.f32 v4, v9  }
0x5d: {  	v48 =	vld.idx.msk [tilespmem:v0+s17+$0xFFFFFF90 ss:$0x1], $0xffff;
	v1 =	vadd.f32 v2, v1  }
0x5e: {  	v49 =	vld.idx.msk [tilespmem:v0+s17+$0xFFFFFFA0 ss:$0x1], $0xffff;
	v4 =	vadd.f32 v5, v4  }
0x5f: {  	v50 =	vld.idx.msk [tilespmem:v0+s17+$0xFFFFFFB0 ss:$0x1], $0xffff;
	v1 =	vadd.f32 v3, v1  }
0x60: {  	v51 =	vld.idx.msk [tilespmem:v0+s17+$0xFFFFFFC0 ss:$0x1], $0xffff;
	v4 =	vadd.f32 v6, v4  }
0x61: {  	v52 =	vld.idx.msk [tilespmem:v0+s17+$0xFFFFFFD0 ss:$0x1], $0xffff;
	v1 =	vadd.f32 v7, v1  }
0x62: {  	v53 =	vld.idx.msk [tilespmem:v0+s17+$0xFFFFFFE0 ss:$0x1], $0xffff;
	v4 =	vadd.f32 v48, v4  }
0x63: {  	v54 =	vld.idx.msk [tilespmem:v0+s17+$0xFFFFFFF0 ss:$0x1], $0xffff;
	v1 =	vadd.f32 v49, v1  }
0x64: {  	v55 =	vld.idx.msk [tilespmem:v0+s17+$0x0 ss:$0x1], $0xffff;
	v4 =	vadd.f32 v50, v4  }
0x65: {  	v56 =	vld.idx.msk [tilespmem:v0+s17+$0x10 ss:$0x1], $0xffff;
	v1 =	vadd.f32 v51, v1  }
0x66: {  	v57 =	vld.idx.msk [tilespmem:v0+s17+$0x20 ss:$0x1], $0xffff;
	v4 =	vadd.f32 v52, v4  }
0x67: {  	v58 =	vld.idx.msk [tilespmem:v0+s17+$0x30 ss:$0x1], $0xffff;
	v1 =	vadd.f32 v53, v1  }
0x68: {  	v59 =	vld.idx.msk [tilespmem:v0+s17+$0x40 ss:$0x1], $0xffff;
	v4 =	vadd.f32 v54, v4  }
0x69: {  	v60 =	vld.idx.msk [tilespmem:v0+s17+$0x50 ss:$0x1], $0xffff;
	v1 =	vadd.f32 v55, v1  }
0x6a: {  	v61 =	vld.idx.msk [tilespmem:v0+s17+$0x60 ss:$0x1], $0xffff;
	v4 =	vadd.f32 v56, v4  }
0x6b: {  	v62 =	vld.idx.msk [tilespmem:v0+s17+$0x70 ss:$0x1], $0xffff;
	v1 =	vadd.f32 v57, v1  }
0x6c: {  	s18 =	sshll.u32 s15, $0x5;
	s15 =	sadd.s32 $0x1, s15;
	v63 =	vadd.f32 v58, v4  }
0x6d: {  	p0 =	sne.s32 s15, $0x4;
	v1 =	vadd.f32 v59, v1  }
.Ltmp1:
0x6e: {  	v3 =	vadd.f32 v60, v63;
	(pc) =	sbr.rel @p0 .LBB2_3-.Ltmp1, $4  }
0x6f: {  	v1 =	vadd.f32 v61, v1  }
0x70: {  	s17 =	sand.u32 $0x3FFFFFE0, s18;
	v0 =	vadd.f32 v62, v3  }
0x71: {  	[tilespmem:s17+$0x13000] =	vst v1  }
0x72: {  	s16 =	sadd.s32 $0x1900, s16;
	[tilespmem:s17+$0x13010] =	vst v0  }
0x73: {  	s15 =	sshll.u32 s13, $0x5  }
0x74: {  	p0 =	seq.s32 s13, $0xF;
	s15 =	sadd.s32 s15, s5  }
0x75: {  	[hbm4b:s15+s2] =	stream.linear.scatter [tilespmem:s9], [sflag:$0x4], $0x80, $0x38;
	[tilespmem:$0x13080] =	vst v63  }
0x76: {  	s15 =	smul.u32 @!p0 $0x1A00, s13  }
0x77: {  	_ =	swait.ge [sflag:s10], $0x80  }
0x78: {  	s17 =	simm.s32 @!p0 $0x64;
	[sflag:s10] =	ssyncset.done $0x0;
	s15 =	sshra.s32 @!p0 s15, $0x2  }
0x79: {  	s18 =	simm.s32 @!p0 $0x6800;
	[sflag:s10] =	ssyncadd.s32 $0xFFFFFF80;
	s16 =	sadd.s32 @!p0 $0x680, s15  }
0x7a: {  	[tilespmem:s18], [sflag:$0x2] =	stream.indirect.gather @!p0 [hbm4b:s3+s17], $0x20, s16, s17, $0xb8;
	[tilespmem:$0x13080] =	vst v63  }
0x7b: {  	s16 =	sadd.s32 @!p0 $0x6E8, s15;
	s18 =	simm.s32 @!p0 $0x7480  }
0x7c: {  	[tilespmem:s18], [sflag:$0x2] =	stream.indirect.gather @!p0 [hbm4b:s3+s17], $0x20, s16, s17, $0xb8;
	[tilespmem:$0x13080] =	vst v63  }
0x7d: {  	s16 =	sadd.s32 @!p0 $0x750, s15;
	s18 =	simm.s32 @!p0 $0x8100  }
0x7e: {  	[tilespmem:s18], [sflag:$0x2] =	stream.indirect.gather @!p0 [hbm4b:s3+s17], $0x20, s16, s17, $0xb8;
	[tilespmem:$0x13080] =	vst v63  }
0x7f: {  	s16 =	sadd.s32 @!p0 $0x7B8, s15;
	s18 =	simm.s32 @!p0 $0x8D80  }
0x80: {  	[tilespmem:s18], [sflag:$0x2] =	stream.indirect.gather @!p0 [hbm4b:s3+s17], $0x20, s16, s17, $0xb8;
	[tilespmem:$0x13080] =	vst v63  }
0x81: {  	s16 =	sadd.s32 @!p0 $0x820, s15;
	s18 =	simm.s32 @!p0 $0x9A00  }
0x82: {  	[tilespmem:s18], [sflag:$0x2] =	stream.indirect.gather @!p0 [hbm4b:s3+s17], $0x20, s16, s17, $0xb8;
	[tilespmem:$0x13080] =	vst v63  }
0x83: {  	s16 =	sadd.s32 @!p0 $0x888, s15;
	s18 =	simm.s32 @!p0 $0xA680  }
0x84: {  	[tilespmem:s18], [sflag:$0x2] =	stream.indirect.gather @!p0 [hbm4b:s3+s17], $0x20, s16, s17, $0xb8;
	[tilespmem:$0x13080] =	vst v63  }
0x85: {  	s16 =	sadd.s32 @!p0 $0x8F0, s15;
	s18 =	simm.s32 @!p0 $0xB300  }
0x86: {  	[tilespmem:s18], [sflag:$0x2] =	stream.indirect.gather @!p0 [hbm4b:s3+s17], $0x20, s16, s17, $0xb8;
	[tilespmem:$0x13080] =	vst v63  }
0x87: {  	s15 =	sadd.s32 @!p0 $0x958, s15;
	s16 =	simm.s32 @!p0 $0xBF80  }
0x88: {  	[tilespmem:s16], [sflag:$0x2] =	stream.indirect.gather @!p0 [hbm4b:s3+s17], $0x20, s15, s17, $0xb8;
	[tilespmem:$0x13080] =	vst v63  }
0x89: {  	_ =	swait.ge [sflag:s11], $0x6400  }
0x8a: {  	[sflag:s11] =	ssyncset.done $0x0  }
0x8b: {  	s15 =	simm.s32 $0x0;
	s16 =	simm.s32 $0xCC80;
	[sflag:s11] =	ssyncadd.s32 $0xFFFF9C00  }
.LBB2_7:
0x8c: {  	v0 =	vmov s16;
	_ =	sdelay $0x3  }
0x8d: {  	s18 =	simm.s32 $0x0  }
0x8e: {  	v1 =	vld.idx.msk [tilespmem:v0+s18+$0xFFFFFF80 ss:$0x1], $0xffff  }
0x8f: {  	v2 =	vld.idx.msk [tilespmem:v0+s18+$0xFFFFFF90 ss:$0x1], $0xffff  }
0x90: {  	v3 =	vld.idx.msk [tilespmem:v0+s18+$0xFFFFFFA0 ss:$0x1], $0xffff  }
0x91: {  	v4 =	vld.idx.msk [tilespmem:v0+s18+$0xFFFFFFB0 ss:$0x1], $0xffff  }
0x92: {  	v5 =	vld.idx.msk [tilespmem:v0+s18+$0xFFFFFFC0 ss:$0x1], $0xffff  }
0x93: {  	v6 =	vld.idx.msk [tilespmem:v0+s18+$0xFFFFFFD0 ss:$0x1], $0xffff  }
0x94: {  	v8 =	vimm.f32 $0.0e+00;
	v7 =	vld.idx.msk [tilespmem:v0+s18+$0xFFFFFFE0 ss:$0x1], $0xffff  }
0x95: {  	v9 =	vld.idx.msk [tilespmem:v0+s18+$0xFFFFFFF0 ss:$0x1], $0xffff;
	v1 =	vadd.f32 v1, v8;
	v2 =	vadd.f32 v2, v8  }
0x96: {  	v10 =	vld.idx.msk [tilespmem:v0+s18+$0x10 ss:$0x1], $0xffff  }
0x97: {  	v8 =	vld.idx.msk [tilespmem:v0+s18+$0x0 ss:$0x1], $0xffff;
	v3 =	vadd.f32 v3, v1;
	v2 =	vadd.f32 v4, v2  }
0x98: {  	v1 =	vld.idx.msk [tilespmem:v0+s18+$0x20 ss:$0x1], $0xffff  }
0x99: {  	v4 =	vld.idx.msk [tilespmem:v0+s18+$0x30 ss:$0x1], $0xffff;
	v3 =	vadd.f32 v5, v3;
	v6 =	vadd.f32 v6, v2  }
0x9a: {  	v2 =	vld.idx.msk [tilespmem:v0+s18+$0x40 ss:$0x1], $0xffff  }
0x9b: {  	v5 =	vld.idx.msk [tilespmem:v0+s18+$0x50 ss:$0x1], $0xffff;
	v7 =	vadd.f32 v7, v3;
	v9 =	vadd.f32 v9, v6  }
0x9c: {  	v3 =	vld.idx.msk [tilespmem:v0+s18+$0x60 ss:$0x1], $0xffff  }
0x9d: {  	s17 =	simm.s32 $0x100;
	v6 =	vld.idx.msk [tilespmem:v0+s18+$0x70 ss:$0x1], $0xffff;
	v8 =	vadd.f32 v8, v7;
	v9 =	vadd.f32 v10, v9  }
0x9e: {  	s18 =	simm.s32 $0x800;
	v7 =	vld.idx.msk [tilespmem:v0+s17+$0xFFFFFF80 ss:$0x1], $0xffff  }
.LBB2_8:
0x9f: {  	p0 =	sne.s32 s18, $0x6000;
	v10 =	vld.idx.msk [tilespmem:v0+s17+$0xFFFFFF90 ss:$0x1], $0xffff;
	v1 =	vadd.f32 v1, v8;
	v4 =	vadd.f32 v4, v9  }
0xa0: {  	v8 =	vld.idx.msk [tilespmem:v0+s17+$0xFFFFFFA0 ss:$0x1], $0xffff  }
0xa1: {  	v9 =	vld.idx.msk [tilespmem:v0+s17+$0xFFFFFFB0 ss:$0x1], $0xffff;
	v1 =	vadd.f32 v2, v1;
	v2 =	vadd.f32 v5, v4  }
0xa2: {  	v4 =	vld.idx.msk [tilespmem:v0+s17+$0xFFFFFFC0 ss:$0x1], $0xffff  }
0xa3: {  	v5 =	vld.idx.msk [tilespmem:v0+s17+$0xFFFFFFD0 ss:$0x1], $0xffff;
	v1 =	vadd.f32 v3, v1;
	v2 =	vadd.f32 v6, v2  }
0xa4: {  	v3 =	vld.idx.msk [tilespmem:v0+s17+$0xFFFFFFE0 ss:$0x1], $0xffff  }
0xa5: {  	v1 =	vadd.f32 v7, v1;
	v2 =	vadd.f32 v10, v2;
	v6 =	vld.idx.msk [tilespmem:v0+s17+$0xFFFFFFF0 ss:$0x1], $0xffff  }
0xa6: {  	v7 =	vld.idx.msk [tilespmem:v0+s17+$0x0 ss:$0x1], $0xffff  }
0xa7: {  	v8 =	vadd.f32 v8, v1;
	v2 =	vadd.f32 v9, v2;
	v9 =	vld.idx.msk [tilespmem:v0+s17+$0x10 ss:$0x1], $0xffff  }
0xa8: {  	v1 =	vld.idx.msk [tilespmem:v0+s17+$0x20 ss:$0x1], $0xffff  }
0xa9: {  	v8 =	vadd.f32 v4, v8;
	v5 =	vadd.f32 v5, v2;
	v4 =	vld.idx.msk [tilespmem:v0+s17+$0x30 ss:$0x1], $0xffff  }
.Ltmp2:
0xaa: {  	v2 =	vld.idx.msk [tilespmem:v0+s17+$0x40 ss:$0x1], $0xffff;
	(pc) =	sbr.rel @p0 .LBB2_8-.Ltmp2, $4  }
0xab: {  	v8 =	vadd.f32 v3, v8;
	v6 =	vadd.f32 v6, v5;
	v5 =	vld.idx.msk [tilespmem:v0+s17+$0x50 ss:$0x1], $0xffff  }
0xac: {  	v3 =	vld.idx.msk [tilespmem:v0+s17+$0x60 ss:$0x1], $0xffff  }
0xad: {  	v8 =	vadd.f32 v7, v8;
	v9 =	vadd.f32 v9, v6;
	v6 =	vld.idx.msk [tilespmem:v0+s17+$0x70 ss:$0x1], $0xffff;
	s17 =	sshra.s32 s18, $0x2  }
0xae: {  	s18 =	sadd.s32 $0x400, s18;
	v7 =	vld.idx.msk [tilespmem:v0+s17+$0xFFFFFF80 ss:$0x1], $0xffff  }
0xaf: {  	_ =	sdelay $0x1  }
0xb0: {  	v1 =	vadd.f32 v1, v8  }
0xb1: {  	v4 =	vadd.f32 v4, v9  }
0xb2: {  	v48 =	vld.idx.msk [tilespmem:v0+s17+$0xFFFFFF90 ss:$0x1], $0xffff;
	v1 =	vadd.f32 v2, v1  }
0xb3: {  	v49 =	vld.idx.msk [tilespmem:v0+s17+$0xFFFFFFA0 ss:$0x1], $0xffff;
	v4 =	vadd.f32 v5, v4  }
0xb4: {  	v50 =	vld.idx.msk [tilespmem:v0+s17+$0xFFFFFFB0 ss:$0x1], $0xffff;
	v1 =	vadd.f32 v3, v1  }
0xb5: {  	v51 =	vld.idx.msk [tilespmem:v0+s17+$0xFFFFFFC0 ss:$0x1], $0xffff;
	v4 =	vadd.f32 v6, v4  }
0xb6: {  	v52 =	vld.idx.msk [tilespmem:v0+s17+$0xFFFFFFD0 ss:$0x1], $0xffff;
	v1 =	vadd.f32 v7, v1  }
0xb7: {  	v53 =	vld.idx.msk [tilespmem:v0+s17+$0xFFFFFFE0 ss:$0x1], $0xffff;
	v4 =	vadd.f32 v48, v4  }
0xb8: {  	v54 =	vld.idx.msk [tilespmem:v0+s17+$0xFFFFFFF0 ss:$0x1], $0xffff;
	v1 =	vadd.f32 v49, v1  }
0xb9: {  	v55 =	vld.idx.msk [tilespmem:v0+s17+$0x0 ss:$0x1], $0xffff;
	v4 =	vadd.f32 v50, v4  }
0xba: {  	v56 =	vld.idx.msk [tilespmem:v0+s17+$0x10 ss:$0x1], $0xffff;
	v1 =	vadd.f32 v51, v1  }
0xbb: {  	v57 =	vld.idx.msk [tilespmem:v0+s17+$0x20 ss:$0x1], $0xffff;
	v4 =	vadd.f32 v52, v4  }
0xbc: {  	v58 =	vld.idx.msk [tilespmem:v0+s17+$0x30 ss:$0x1], $0xffff;
	v1 =	vadd.f32 v53, v1  }
0xbd: {  	v59 =	vld.idx.msk [tilespmem:v0+s17+$0x40 ss:$0x1], $0xffff;
	v4 =	vadd.f32 v54, v4  }
0xbe: {  	v60 =	vld.idx.msk [tilespmem:v0+s17+$0x50 ss:$0x1], $0xffff;
	v1 =	vadd.f32 v55, v1  }
0xbf: {  	v61 =	vld.idx.msk [tilespmem:v0+s17+$0x60 ss:$0x1], $0xffff;
	v4 =	vadd.f32 v56, v4  }
0xc0: {  	v62 =	vld.idx.msk [tilespmem:v0+s17+$0x70 ss:$0x1], $0xffff;
	v1 =	vadd.f32 v57, v1  }
0xc1: {  	s18 =	sshll.u32 s15, $0x5;
	s15 =	sadd.s32 $0x1, s15;
	v63 =	vadd.f32 v58, v4  }
0xc2: {  	p0 =	sne.s32 s15, $0x4;
	v1 =	vadd.f32 v59, v1  }
.Ltmp3:
0xc3: {  	v3 =	vadd.f32 v60, v63;
	(pc) =	sbr.rel @p0 .LBB2_7-.Ltmp3, $4  }
0xc4: {  	v1 =	vadd.f32 v61, v1  }
0xc5: {  	s17 =	sand.u32 $0x3FFFFFE0, s18;
	v0 =	vadd.f32 v62, v3  }
0xc6: {  	[tilespmem:s17+$0x13000] =	vst v1  }
0xc7: {  	s16 =	sadd.s32 $0x1900, s16;
	[tilespmem:s17+$0x13010] =	vst v0  }
0xc8: {  	s13 =	sadd.s32 $0x1, s13  }
0xc9: {  	s14 =	sshll.u32 s14, $0x4;
	p0 =	sne.s32 s13, $0x10  }
.Ltmp4:
0xca: {  	s14 =	sadd.s32 s14, s5;
	(pc) =	sbr.rel @p0 .LBB2_2-.Ltmp4, $4  }
0xcb: {  	[hbm4b:s14+s2] =	stream.linear.scatter [tilespmem:s9], [sflag:$0x4], $0x80, $0x38;
	[tilespmem:$0x13080] =	vst v63  }
0xcc: {  	_ =	swait.ge [sflag:s10], $0x80  }
0xcd: {  	[sflag:s10] =	ssyncset.done $0x0  }
0xce: {  	[sflag:s10] =	ssyncadd.s32 $0xFFFFFF80  }
0xcf: {  	s12 =	sadd.s32 $0x1, s12  }
0xd0: {  	p0 =	sne.s32 s12, s6  }
.Ltmp5:
0xd1: {  	_ = 	snop;
	(pc) =	sbr.rel @p0 .LBB2_1-.Ltmp5, $1  }
0xd2: {  	_ =	sdelay $0x3  }
0xd3: {  	_ =	sfence.sel $0x180000  }
0xd4: {  	[bflag:$0x0] =	sbarrier.arrive $0xFFFF  }
0xd5: {  	_ =	strace $0x90000047  }
0xd6: {  	s0 =	stileid.u32;
	[bflag:$0x2] =	sbarrier.arrive $0xFFFF  }
0xd7: {  	p0 =	sne.s32 s0, $0x0;
	s0 =	rddreg [dreg:$0x1]  }
0xd8: {  	s0 =	sadd.s32 @!p0 $0x100000, s0  }
0xd9: {  	[sflag:s0] =	ssyncadd.tile.s32 @!p0 $0x1;
	_ =	shalt  }
.Lfunc_end2:
_tile_overlayer_lowered:
.L_overlay_start_2:
0xda: {  	(tag) =	ssettag $0x2  }
0xdb: {  	s0 =	rddreg [dreg:$0x0];
	s2 =	stileid.u32  }
0xdc: {  	s1 =	rddreg [dreg:$0x1];
	p0 =	sne.s32 s2, $0x0  }
0xdd: {  	s3 =	rddreg [dreg:$0x2];
	[bflag:$0x3] =	sbarrier.arrive $0xFFFF;
	s2 =	simm.s32 @!p0 $0x1C04  }
0xde: {  	[timem:s3], [sflag:s2] =	dma.local @!p0 [hbm:s0], s1  }
0xdf: {  	s0 =	simm.s32 @!p0 $0x4  }
0xe0: {  	_ =	swait.ge @!p0 [sflag:s0], s1  }
0xe1: {  	s1 =	ssub.s32 @!p0 $0x0, s1;
	[sflag:s0] =	ssyncset.done @!p0 $0x0  }
0xe2: {  	[sflag:s0] =	ssyncadd.s32 @!p0 s1  }
0xe3: {  	[bflag:$0x3] =	sbarrier.arrive $0xFFFF  }
0xe4: {  	_ =	shalt  }

</sc_bundles>
